<compile_context>
chip_gen: v7x
topology: tpu7x:2x2x1
jax: 0.10.2.dev20260603
libtpu: 0.0.44.dev20260713+nightly
codegen_flags: <defaults>
</compile_context>

<pallas_src>
import jax
import jax.numpy as jnp
from jax import lax
from jax.experimental import pallas as pl
from jax.experimental.pallas import tpu as pltpu
from jax.experimental.pallas import tpu_sc as plsc

B, C, D, H, W = 2, 2, 128, 128, 128
YB = 8
YHALO = 8
NYW = YB + 2 * YHALO
RZ = 32
ZCHUNK = 8
NCHUNK = D // ZCHUNK
L = 16
NVEC = YB * (W // L)


def _umin(a, bound):
    return jnp.minimum(a.astype(jnp.uint32),
                       jnp.uint32(bound)).astype(jnp.int32)


def _warp_body(packed_hbm, flow_hbm, out_hbm, ring, flow_buf, out_buf,
               sem_img, sem_fl, sem_out):
    wid = lax.axis_index("s") * 2 + lax.axis_index("c")
    bt = wid >> 4
    yb = wid & 15
    y0 = yb * YB
    ys = pl.multiple_of(jnp.clip(y0 - YHALO, 0, H - NYW), 8)
    lanes = lax.broadcasted_iota(jnp.int32, (L,), 0)
    lanes_f = lanes.astype(jnp.float32)

    def img_chunk_copy(m):
        return pltpu.make_async_copy(
            packed_hbm.at[bt, pl.ds(m * ZCHUNK, ZCHUNK), pl.ds(ys, NYW), :],
            ring.at[pl.ds((m & 3) * ZCHUNK, ZCHUNK)], sem_img)

    def flow_copy(gc):
        return pltpu.make_async_copy(
            flow_hbm.at[bt, :, pl.ds(2 * gc, 2), pl.ds(y0, YB), :],
            flow_buf.at[gc & 1], sem_fl)

    def out_copy(gc):
        return pltpu.make_async_copy(
            out_buf.at[gc & 1],
            out_hbm.at[bt, :, pl.ds(2 * gc, 2), pl.ds(y0, YB), :], sem_out)

    for m in range(3):
        img_chunk_copy(m).start()
    flow_copy(0).start()
    for m in range(3):
        img_chunk_copy(m).wait()

    def chunk_body(gc, carry):
        m = gc >> 2

        @pl.when((gc & 3) == 0)
        def _ring_mgmt():
            @pl.when(jnp.logical_and(m >= 1, m <= NCHUNK - 3))
            def _fire():
                img_chunk_copy(m + 2).start()

            @pl.when(jnp.logical_and(m >= 2, m <= NCHUNK - 2))
            def _wait():
                img_chunk_copy(m + 1).wait()

        flow_copy(gc).wait()

        @pl.when(gc < D // 2 - 1)
        def _next_flow():
            flow_copy(gc + 1).start()

        @pl.when(gc >= 2)
        def _drain_out():
            out_copy(gc - 2).wait()

        slot = gc & 1
        zbase = 2 * gc

        @plsc.parallel_loop(0, 2 * NVEC)
        def vec_body(i):
            dz = i >> 6
            ly = (i >> 3) & 7
            col = i & 7
            x0 = col * L
            fx = flow_buf[slot, 0, dz, ly, pl.ds(x0, L)]
            fy = flow_buf[slot, 1, dz, ly, pl.ds(x0, L)]
            fz = flow_buf[slot, 2, dz, ly, pl.ds(x0, L)]
            sx = jnp.clip(x0.astype(jnp.float32) + lanes_f + fx,
                          0.0, W - 1.0)
            ix0 = sx.astype(jnp.int32)
            wx = sx - ix0.astype(jnp.float32)
            ix1 = _umin(ix0 + 1, W - 1)
            sy = jnp.clip((y0 + ly).astype(jnp.float32) + fy, 0.0, H - 1.0)
            iy0 = sy.astype(jnp.int32)
            wy = sy - iy0.astype(jnp.float32)
            ly0 = iy0 - ys
            ly1 = _umin(iy0 + 1, H - 1) - ys
            sz = jnp.clip((zbase + dz).astype(jnp.float32) + fz, 0.0, D - 1.0)
            iz0 = sz.astype(jnp.int32)
            wz = sz - iz0.astype(jnp.float32)
            lz0 = iz0 & (RZ - 1)
            lz1 = _umin(iz0 + 1, D - 1) & (RZ - 1)
            w000 = plsc.load_gather(ring, [lz0, ly0, ix0])
            w001 = plsc.load_gather(ring, [lz0, ly0, ix1])
            w010 = plsc.load_gather(ring, [lz0, ly1, ix0])
            w011 = plsc.load_gather(ring, [lz0, ly1, ix1])
            w100 = plsc.load_gather(ring, [lz1, ly0, ix0])
            w101 = plsc.load_gather(ring, [lz1, ly0, ix1])
            w110 = plsc.load_gather(ring, [lz1, ly1, ix0])
            w111 = plsc.load_gather(ring, [lz1, ly1, ix1])
            wxp = plsc.pack(wx, wx, format=plsc.PackFormat.INTERLEAVED)
            wyp = plsc.pack(wy, wy, format=plsc.PackFormat.INTERLEAVED)
            wzp = plsc.pack(wz, wz, format=plsc.PackFormat.INTERLEAVED)

            def asbf(wv):
                return plsc.bitcast(wv, jnp.bfloat16)

            v000 = asbf(w000)
            v001 = asbf(w001)
            v010 = asbf(w010)
            v011 = asbf(w011)
            v100 = asbf(w100)
            v101 = asbf(w101)
            v110 = asbf(w110)
            v111 = asbf(w111)
            c00 = v000 + wxp * (v001 - v000)
            c01 = v010 + wxp * (v011 - v010)
            c10 = v100 + wxp * (v101 - v100)
            c11 = v110 + wxp * (v111 - v110)
            c0 = c00 + wyp * (c01 - c00)
            c1 = c10 + wyp * (c11 - c10)
            res = c0 + wzp * (c1 - c0)
            r0, r1 = plsc.unpack(res, format=plsc.PackFormat.INTERLEAVED)
            out_buf[slot, 0, dz, ly, pl.ds(x0, L)] = r0
            out_buf[slot, 1, dz, ly, pl.ds(x0, L)] = r1

        out_copy(gc).start()
        return carry

    lax.fori_loop(0, D // 2, chunk_body, jnp.int32(0))
    out_copy(D // 2 - 2).wait()
    out_copy(D // 2 - 1).wait()


@jax.jit
def _warp(image, flow):
    u0 = lax.bitcast_convert_type(
        image[:, 0].astype(jnp.bfloat16), jnp.uint16).astype(jnp.uint32)
    u1 = lax.bitcast_convert_type(
        image[:, 1].astype(jnp.bfloat16), jnp.uint16).astype(jnp.uint32)
    packed = lax.bitcast_convert_type(u0 | (u1 << 16), jnp.int32)
    mesh = plsc.VectorSubcoreMesh(core_axis_name="c", subcore_axis_name="s")
    return pl.kernel(
        _warp_body,
        mesh=mesh,
        compiler_params=pltpu.CompilerParams(needs_layout_passes=False),
        out_type=jax.ShapeDtypeStruct((B, C, D, H, W), jnp.float32),
        scratch_types=[
            pltpu.VMEM((RZ, NYW, W), jnp.int32),
            pltpu.VMEM((2, 3, 2, YB, W), jnp.float32),
            pltpu.VMEM((2, C, 2, YB, W), jnp.float32),
            pltpu.SemaphoreType.DMA,
            pltpu.SemaphoreType.DMA,
            pltpu.SemaphoreType.DMA,
        ],
    )(packed, flow)


def kernel(image, flow):
    return _warp(image, flow)

# --- scband reference (transcript-rebuilt; emitter-appended) ---
"""Pipeline reference for scband-spatial-transformer-6966436954313 (READ-ONLY COPY).

The authoritative reference and input builder live on the scoring server;
editing this copy changes nothing except your own understanding.
"""

import jax, jax.numpy as jnp
import numpy as np


def _grid_sample_3d(image, grid):
    # Faithful port of F.grid_sample for 5-D inputs with mode='bilinear',
    # padding_mode='border', align_corners=True.
    # image: (B, C, D, H, W); grid: (B, D, H, W, 3), last dim = (x, y, z) in [-1, 1].
    B, C, D, H, W = image.shape
    ix = (grid[..., 0] + 1.0) * 0.5 * (W - 1)
    iy = (grid[..., 1] + 1.0) * 0.5 * (H - 1)
    iz = (grid[..., 2] + 1.0) * 0.5 * (D - 1)
    # border padding: clamp sampling coordinates to the valid range
    ix = jnp.clip(ix, 0.0, W - 1.0)
    iy = jnp.clip(iy, 0.0, H - 1.0)
    iz = jnp.clip(iz, 0.0, D - 1.0)
    ix0 = jnp.floor(ix); iy0 = jnp.floor(iy); iz0 = jnp.floor(iz)
    wx = ix - ix0; wy = iy - iy0; wz = iz - iz0
    ix0i = jnp.clip(ix0, 0, W - 1).astype(jnp.int32)
    iy0i = jnp.clip(iy0, 0, H - 1).astype(jnp.int32)
    iz0i = jnp.clip(iz0, 0, D - 1).astype(jnp.int32)
    ix1i = jnp.clip(ix0 + 1.0, 0, W - 1).astype(jnp.int32)
    iy1i = jnp.clip(iy0 + 1.0, 0, H - 1).astype(jnp.int32)
    iz1i = jnp.clip(iz0 + 1.0, 0, D - 1).astype(jnp.int32)

    flat = image.reshape(B, C, D * H * W)
    N = D * H * W

    def gather(zi, yi, xi):
        idx = (zi * H + yi) * W + xi  # (B, D, H, W)
        idx = jnp.broadcast_to(idx.reshape(B, 1, N), (B, C, N))
        return jnp.take_along_axis(flat, idx, axis=2).reshape(B, C, D, H, W)

    wx_ = wx[:, None]; wy_ = wy[:, None]; wz_ = wz[:, None]
    out = (
        gather(iz0i, iy0i, ix0i) * (1 - wz_) * (1 - wy_) * (1 - wx_)
        + gather(iz0i, iy0i, ix1i) * (1 - wz_) * (1 - wy_) * wx_
        + gather(iz0i, iy1i, ix0i) * (1 - wz_) * wy_ * (1 - wx_)
        + gather(iz0i, iy1i, ix1i) * (1 - wz_) * wy_ * wx_
        + gather(iz1i, iy0i, ix0i) * wz_ * (1 - wy_) * (1 - wx_)
        + gather(iz1i, iy0i, ix1i) * wz_ * (1 - wy_) * wx_
        + gather(iz1i, iy1i, ix0i) * wz_ * wy_ * (1 - wx_)
        + gather(iz1i, iy1i, ix1i) * wz_ * wy_ * wx_
    )
    return out


def setup_inputs(seed: int = 0) -> dict:
    key = jax.random.key(seed)
    k1, k2 = jax.random.split(key)
    image = jax.random.normal(k1, (2, 2, 128, 128, 128), dtype=jnp.float32)
    flow = jax.random.normal(k2, (2, 3, 128, 128, 128), dtype=jnp.float32)
    return {"image": image, "flow": flow}


def reference(image, flow):
    B, C, D, H, W = image.shape
    d = jnp.arange(D, dtype=image.dtype)
    h = jnp.arange(H, dtype=image.dtype)
    w = jnp.arange(W, dtype=image.dtype)
    grid_d, grid_h, grid_w = jnp.meshgrid(d, h, w, indexing='ij')
    grid = jnp.stack([grid_w, grid_h, grid_d], axis=-1)  # (D, H, W, 3)
    grid = jnp.broadcast_to(grid[None], (B, D, H, W, 3))
    sample_grid = grid + jnp.transpose(flow, (0, 2, 3, 4, 1))
    gx = 2.0 * sample_grid[..., 0] / (W - 1) - 1.0
    gy = 2.0 * sample_grid[..., 1] / (H - 1) - 1.0
    gz = 2.0 * sample_grid[..., 2] / (D - 1) - 1.0
    norm_grid = jnp.stack([gx, gy, gz], axis=-1)
    warped = _grid_sample_3d(image, norm_grid)
    return warped

if __name__ == "__main__":
    import jax
    _d = setup_inputs()
    print(jax.jit(kernel)(*tuple(_d.values())))

</pallas_src>

<mosaic_0001>
#map = affine_map<(d0, d1) -> (0, 0, 0, 0)>
#map1 = affine_map<(d0, d1) -> (0, 0, 0, 0, 0)>
module attributes {stable_mosaic.version = 14 : i64} {
  func.func @_warp_body(%arg0: i32, %arg1: i32, %arg2: memref<2x128x128x128xi32, #tpu.memory_space<hbm>>, %arg3: memref<2x3x128x128x128xf32, #tpu.memory_space<hbm>>, %arg4: memref<2x2x128x128x128xf32, #tpu.memory_space<hbm>>, %arg5: memref<32x24x128xi32, #tpu.memory_space<vmem>>, %arg6: memref<2x3x2x8x128xf32, #tpu.memory_space<vmem>>, %arg7: memref<2x2x2x8x128xf32, #tpu.memory_space<vmem>>, %arg8: memref<!tpu.dma_semaphore, #tpu.memory_space<semaphore_mem>>, %arg9: memref<!tpu.dma_semaphore, #tpu.memory_space<semaphore_mem>>, %arg10: memref<!tpu.dma_semaphore, #tpu.memory_space<semaphore_mem>>) attributes {dimension_semantics = [#tpu.dimension_semantics<core_parallel>, #tpu.dimension_semantics<subcore_parallel>], iteration_bounds = array<i64: 2, 16>, scalar_prefetch = 0 : i64, scratch_operands = 6 : i64, tpu.core_type = #tpu.core_type<sc_vector_subcore>, window_params = [{transform_indices = #map}, {transform_indices = #map1}, {transform_indices = #map1}]} {
    %mul3A = arith.constant 2 : i32
    %mul3A_0 = arith.muli %arg1, %mul3A : i32
    %add3A = arith.addi %mul3A_0, %arg0 : i32
    %shift_right_arithmetic3A = arith.constant 4 : i32
    %shift_right_arithmetic3A_1 = arith.shrsi %add3A, %shift_right_arithmetic3A : i32
    %and3A = arith.constant 15 : i32
    %and3A_2 = arith.andi %add3A, %and3A : i32
    %mul3A_3 = arith.constant 8 : i32
    %mul3A_4 = arith.muli %and3A_2, %mul3A_3 : i32
    %sub3A = arith.constant 8 : i32
    %sub3A_5 = arith.subi %mul3A_4, %sub3A : i32
    %jit3A = arith.constant 0 : i32
    %jit3A_6 = arith.constant 104 : i32
    %max3A = arith.maxsi %jit3A, %sub3A_5 : i32
    %min3A = arith.minsi %jit3A_6, %max3A : i32
    %multiple_of3A = tpu.assume_multiple %min3A, 8 : i32
    %iota3A = tpu.iota {dimensions = array<i32: 0>} : vector<16xi32>
    %convert_element_type3A = arith.sitofp %iota3A : vector<16xi32> to vector<16xf32>
    %dma_start3A = arith.constant 0 : i32
    %dma_start3A_7 = arith.constant 0 : i32
    %dma_start3A_8 = arith.constant 0 : i32
    %dma_start3A_9 = tpu.memref_slice %arg5[%dma_start3A, %dma_start3A_7, %dma_start3A_8] : memref<32x24x128xi32, #tpu.memory_space<vmem>> -> memref<8x24x128xi32, #tpu.memory_space<vmem>>
    %dma_start3A_10 = arith.constant 0 : i32
    %dma_start3A_11 = arith.constant 0 : i32
    %dma_start3A_12 = tpu.memref_slice %arg2[%shift_right_arithmetic3A_1, %dma_start3A_10, %multiple_of3A, %dma_start3A_11] : memref<2x128x128x128xi32, #tpu.memory_space<hbm>> -> memref<1x8x24x128xi32, #tpu.memory_space<hbm>>
    %dma_start3A_13 = tpu.memref_squeeze %dma_start3A_12 : memref<1x8x24x128xi32, #tpu.memory_space<hbm>> -> memref<8x24x128xi32, #tpu.memory_space<hbm>>
    %dma_start3A_14 = arith.constant 0 : i32
    %dma_start3A_15 = arith.constant 0 : i32
    %dma_start3A_16 = arith.constant 0 : i32
    %dma_start3A_17 = tpu.memref_slice %arg5[%dma_start3A_14, %dma_start3A_15, %dma_start3A_16] : memref<32x24x128xi32, #tpu.memory_space<vmem>> -> memref<8x24x128xi32, #tpu.memory_space<vmem>>
    %dma_start3A_18 = arith.constant 0 : i32
    %dma_start3A_19 = arith.constant 0 : i32
    %dma_start3A_20 = tpu.memref_slice %arg2[%shift_right_arithmetic3A_1, %dma_start3A_18, %multiple_of3A, %dma_start3A_19] : memref<2x128x128x128xi32, #tpu.memory_space<hbm>> -> memref<1x8x24x128xi32, #tpu.memory_space<hbm>>
    %dma_start3A_21 = tpu.memref_squeeze %dma_start3A_20 : memref<1x8x24x128xi32, #tpu.memory_space<hbm>> -> memref<8x24x128xi32, #tpu.memory_space<hbm>>
    tpu.enqueue_dma source(%dma_start3A_21 : memref<8x24x128xi32, #tpu.memory_space<hbm>>) target(%dma_start3A_17 : memref<8x24x128xi32, #tpu.memory_space<vmem>>) target_semaphore(%arg8 : memref<!tpu.dma_semaphore, #tpu.memory_space<semaphore_mem>>)
    %dma_start3A_22 = arith.constant 8 : i32
    %dma_start3A_23 = arith.constant 0 : i32
    %dma_start3A_24 = arith.constant 0 : i32
    %dma_start3A_25 = tpu.memref_slice %arg5[%dma_start3A_22, %dma_start3A_23, %dma_start3A_24] : memref<32x24x128xi32, #tpu.memory_space<vmem>> -> memref<8x24x128xi32, #tpu.memory_space<vmem>>
    %dma_start3A_26 = arith.constant 8 : i32
    %dma_start3A_27 = arith.constant 0 : i32
    %dma_start3A_28 = tpu.memref_slice %arg2[%shift_right_arithmetic3A_1, %dma_start3A_26, %multiple_of3A, %dma_start3A_27] : memref<2x128x128x128xi32, #tpu.memory_space<hbm>> -> memref<1x8x24x128xi32, #tpu.memory_space<hbm>>
    %dma_start3A_29 = tpu.memref_squeeze %dma_start3A_28 : memref<1x8x24x128xi32, #tpu.memory_space<hbm>> -> memref<8x24x128xi32, #tpu.memory_space<hbm>>
    %dma_start3A_30 = arith.constant 8 : i32
    %dma_start3A_31 = arith.constant 0 : i32
    %dma_start3A_32 = arith.constant 0 : i32
    %dma_start3A_33 = tpu.memref_slice %arg5[%dma_start3A_30, %dma_start3A_31, %dma_start3A_32] : memref<32x24x128xi32, #tpu.memory_space<vmem>> -> memref<8x24x128xi32, #tpu.memory_space<vmem>>
    %dma_start3A_34 = arith.constant 8 : i32
    %dma_start3A_35 = arith.constant 0 : i32
    %dma_start3A_36 = tpu.memref_slice %arg2[%shift_right_arithmetic3A_1, %dma_start3A_34, %multiple_of3A, %dma_start3A_35] : memref<2x128x128x128xi32, #tpu.memory_space<hbm>> -> memref<1x8x24x128xi32, #tpu.memory_space<hbm>>
    %dma_start3A_37 = tpu.memref_squeeze %dma_start3A_36 : memref<1x8x24x128xi32, #tpu.memory_space<hbm>> -> memref<8x24x128xi32, #tpu.memory_space<hbm>>
    tpu.enqueue_dma source(%dma_start3A_37 : memref<8x24x128xi32, #tpu.memory_space<hbm>>) target(%dma_start3A_33 : memref<8x24x128xi32, #tpu.memory_space<vmem>>) target_semaphore(%arg8 : memref<!tpu.dma_semaphore, #tpu.memory_space<semaphore_mem>>)
    %dma_start3A_38 = arith.constant 16 : i32
    %dma_start3A_39 = arith.constant 0 : i32
    %dma_start3A_40 = arith.constant 0 : i32
    %dma_start3A_41 = tpu.memref_slice %arg5[%dma_start3A_38, %dma_start3A_39, %dma_start3A_40] : memref<32x24x128xi32, #tpu.memory_space<vmem>> -> memref<8x24x128xi32, #tpu.memory_space<vmem>>
    %dma_start3A_42 = arith.constant 16 : i32
    %dma_start3A_43 = arith.constant 0 : i32
    %dma_start3A_44 = tpu.memref_slice %arg2[%shift_right_arithmetic3A_1, %dma_start3A_42, %multiple_of3A, %dma_start3A_43] : memref<2x128x128x128xi32, #tpu.memory_space<hbm>> -> memref<1x8x24x128xi32, #tpu.memory_space<hbm>>
    %dma_start3A_45 = tpu.memref_squeeze %dma_start3A_44 : memref<1x8x24x128xi32, #tpu.memory_space<hbm>> -> memref<8x24x128xi32, #tpu.memory_space<hbm>>
    %dma_start3A_46 = arith.constant 16 : i32
    %dma_start3A_47 = arith.constant 0 : i32
    %dma_start3A_48 = arith.constant 0 : i32
    %dma_start3A_49 = tpu.memref_slice %arg5[%dma_start3A_46, %dma_start3A_47, %dma_start3A_48] : memref<32x24x128xi32, #tpu.memory_space<vmem>> -> memref<8x24x128xi32, #tpu.memory_space<vmem>>
    %dma_start3A_50 = arith.constant 16 : i32
    %dma_start3A_51 = arith.constant 0 : i32
    %dma_start3A_52 = tpu.memref_slice %arg2[%shift_right_arithmetic3A_1, %dma_start3A_50, %multiple_of3A, %dma_start3A_51] : memref<2x128x128x128xi32, #tpu.memory_space<hbm>> -> memref<1x8x24x128xi32, #tpu.memory_space<hbm>>
    %dma_start3A_53 = tpu.memref_squeeze %dma_start3A_52 : memref<1x8x24x128xi32, #tpu.memory_space<hbm>> -> memref<8x24x128xi32, #tpu.memory_space<hbm>>
    tpu.enqueue_dma source(%dma_start3A_53 : memref<8x24x128xi32, #tpu.memory_space<hbm>>) target(%dma_start3A_49 : memref<8x24x128xi32, #tpu.memory_space<vmem>>) target_semaphore(%arg8 : memref<!tpu.dma_semaphore, #tpu.memory_space<semaphore_mem>>)
    %dma_start3A_54 = arith.constant 0 : i32
    %dma_start3A_55 = arith.constant 0 : i32
    %dma_start3A_56 = arith.constant 0 : i32
    %dma_start3A_57 = arith.constant 0 : i32
    %dma_start3A_58 = arith.constant 0 : i32
    %dma_start3A_59 = tpu.memref_slice %arg6[%dma_start3A_54, %dma_start3A_55, %dma_start3A_56, %dma_start3A_57, %dma_start3A_58] : memref<2x3x2x8x128xf32, #tpu.memory_space<vmem>> -> memref<1x3x2x8x128xf32, #tpu.memory_space<vmem>>
    %dma_start3A_60 = tpu.memref_squeeze %dma_start3A_59 : memref<1x3x2x8x128xf32, #tpu.memory_space<vmem>> -> memref<3x2x8x128xf32, #tpu.memory_space<vmem>>
    %dma_start3A_61 = arith.constant 0 : i32
    %dma_start3A_62 = arith.constant 0 : i32
    %dma_start3A_63 = arith.constant 0 : i32
    %dma_start3A_64 = tpu.memref_slice %arg3[%shift_right_arithmetic3A_1, %dma_start3A_61, %dma_start3A_62, %mul3A_4, %dma_start3A_63] : memref<2x3x128x128x128xf32, #tpu.memory_space<hbm>> -> memref<1x3x2x8x128xf32, #tpu.memory_space<hbm>>
    %dma_start3A_65 = tpu.memref_squeeze %dma_start3A_64 : memref<1x3x2x8x128xf32, #tpu.memory_space<hbm>> -> memref<3x2x8x128xf32, #tpu.memory_space<hbm>>
    %dma_start3A_66 = arith.constant 0 : i32
    %dma_start3A_67 = arith.constant 0 : i32
    %dma_start3A_68 = arith.constant 0 : i32
    %dma_start3A_69 = arith.constant 0 : i32
    %dma_start3A_70 = tpu.memref_slice %arg6[%dma_start3A_54, %dma_start3A_66, %dma_start3A_67, %dma_start3A_68, %dma_start3A_69] : memref<2x3x2x8x128xf32, #tpu.memory_space<vmem>> -> memref<1x3x2x8x128xf32, #tpu.memory_space<vmem>>
    %dma_start3A_71 = tpu.memref_squeeze %dma_start3A_70 : memref<1x3x2x8x128xf32, #tpu.memory_space<vmem>> -> memref<3x2x8x128xf32, #tpu.memory_space<vmem>>
    %dma_start3A_72 = arith.constant 0 : i32
    %dma_start3A_73 = arith.constant 0 : i32
    %dma_start3A_74 = arith.constant 0 : i32
    %dma_start3A_75 = tpu.memref_slice %arg3[%shift_right_arithmetic3A_1, %dma_start3A_72, %dma_start3A_73, %mul3A_4, %dma_start3A_74] : memref<2x3x128x128x128xf32, #tpu.memory_space<hbm>> -> memref<1x3x2x8x128xf32, #tpu.memory_space<hbm>>
    %dma_start3A_76 = tpu.memref_squeeze %dma_start3A_75 : memref<1x3x2x8x128xf32, #tpu.memory_space<hbm>> -> memref<3x2x8x128xf32, #tpu.memory_space<hbm>>
    tpu.enqueue_dma source(%dma_start3A_76 : memref<3x2x8x128xf32, #tpu.memory_space<hbm>>) target(%dma_start3A_71 : memref<3x2x8x128xf32, #tpu.memory_space<vmem>>) target_semaphore(%arg9 : memref<!tpu.dma_semaphore, #tpu.memory_space<semaphore_mem>>)
    %dma_wait3A = arith.constant 0 : i32
    %dma_wait3A_77 = arith.constant 0 : i32
    %dma_wait3A_78 = arith.constant 0 : i32
    %dma_wait3A_79 = tpu.memref_slice %arg5[%dma_wait3A, %dma_wait3A_77, %dma_wait3A_78] : memref<32x24x128xi32, #tpu.memory_space<vmem>> -> memref<8x24x128xi32, #tpu.memory_space<vmem>>
    %dma_wait3A_80 = arith.constant 0 : i32
    %dma_wait3A_81 = arith.constant 0 : i32
    %dma_wait3A_82 = tpu.memref_slice %arg2[%shift_right_arithmetic3A_1, %dma_wait3A_80, %multiple_of3A, %dma_wait3A_81] : memref<2x128x128x128xi32, #tpu.memory_space<hbm>> -> memref<1x8x24x128xi32, #tpu.memory_space<hbm>>
    %dma_wait3A_83 = tpu.memref_squeeze %dma_wait3A_82 : memref<1x8x24x128xi32, #tpu.memory_space<hbm>> -> memref<8x24x128xi32, #tpu.memory_space<hbm>>
    %dma_wait3A_84 = arith.constant 0 : i32
    %dma_wait3A_85 = arith.constant 0 : i32
    %dma_wait3A_86 = arith.constant 0 : i32
    %dma_wait3A_87 = tpu.memref_slice %arg5[%dma_wait3A_84, %dma_wait3A_85, %dma_wait3A_86] : memref<32x24x128xi32, #tpu.memory_space<vmem>> -> memref<8x24x128xi32, #tpu.memory_space<vmem>>
    %dma_wait3A_88 = arith.constant 0 : i32
    %dma_wait3A_89 = arith.constant 0 : i32
    %dma_wait3A_90 = tpu.memref_slice %arg2[%shift_right_arithmetic3A_1, %dma_wait3A_88, %multiple_of3A, %dma_wait3A_89] : memref<2x128x128x128xi32, #tpu.memory_space<hbm>> -> memref<1x8x24x128xi32, #tpu.memory_space<hbm>>
    %dma_wait3A_91 = tpu.memref_squeeze %dma_wait3A_90 : memref<1x8x24x128xi32, #tpu.memory_space<hbm>> -> memref<8x24x128xi32, #tpu.memory_space<hbm>>
    tpu.wait_dma2 semaphore(%arg8 : memref<!tpu.dma_semaphore, #tpu.memory_space<semaphore_mem>>) src(%dma_wait3A_91 : memref<8x24x128xi32, #tpu.memory_space<hbm>>) dst(%dma_wait3A_87 : memref<8x24x128xi32, #tpu.memory_space<vmem>>)
    %dma_wait3A_92 = arith.constant 8 : i32
    %dma_wait3A_93 = arith.constant 0 : i32
    %dma_wait3A_94 = arith.constant 0 : i32
    %dma_wait3A_95 = tpu.memref_slice %arg5[%dma_wait3A_92, %dma_wait3A_93, %dma_wait3A_94] : memref<32x24x128xi32, #tpu.memory_space<vmem>> -> memref<8x24x128xi32, #tpu.memory_space<vmem>>
    %dma_wait3A_96 = arith.constant 8 : i32
    %dma_wait3A_97 = arith.constant 0 : i32
    %dma_wait3A_98 = tpu.memref_slice %arg2[%shift_right_arithmetic3A_1, %dma_wait3A_96, %multiple_of3A, %dma_wait3A_97] : memref<2x128x128x128xi32, #tpu.memory_space<hbm>> -> memref<1x8x24x128xi32, #tpu.memory_space<hbm>>
    %dma_wait3A_99 = tpu.memref_squeeze %dma_wait3A_98 : memref<1x8x24x128xi32, #tpu.memory_space<hbm>> -> memref<8x24x128xi32, #tpu.memory_space<hbm>>
    %dma_wait3A_100 = arith.constant 8 : i32
    %dma_wait3A_101 = arith.constant 0 : i32
    %dma_wait3A_102 = arith.constant 0 : i32
    %dma_wait3A_103 = tpu.memref_slice %arg5[%dma_wait3A_100, %dma_wait3A_101, %dma_wait3A_102] : memref<32x24x128xi32, #tpu.memory_space<vmem>> -> memref<8x24x128xi32, #tpu.memory_space<vmem>>
    %dma_wait3A_104 = arith.constant 8 : i32
    %dma_wait3A_105 = arith.constant 0 : i32
    %dma_wait3A_106 = tpu.memref_slice %arg2[%shift_right_arithmetic3A_1, %dma_wait3A_104, %multiple_of3A, %dma_wait3A_105] : memref<2x128x128x128xi32, #tpu.memory_space<hbm>> -> memref<1x8x24x128xi32, #tpu.memory_space<hbm>>
    %dma_wait3A_107 = tpu.memref_squeeze %dma_wait3A_106 : memref<1x8x24x128xi32, #tpu.memory_space<hbm>> -> memref<8x24x128xi32, #tpu.memory_space<hbm>>
    tpu.wait_dma2 semaphore(%arg8 : memref<!tpu.dma_semaphore, #tpu.memory_space<semaphore_mem>>) src(%dma_wait3A_107 : memref<8x24x128xi32, #tpu.memory_space<hbm>>) dst(%dma_wait3A_103 : memref<8x24x128xi32, #tpu.memory_space<vmem>>)
    %dma_wait3A_108 = arith.constant 16 : i32
    %dma_wait3A_109 = arith.constant 0 : i32
    %dma_wait3A_110 = arith.constant 0 : i32
    %dma_wait3A_111 = tpu.memref_slice %arg5[%dma_wait3A_108, %dma_wait3A_109, %dma_wait3A_110] : memref<32x24x128xi32, #tpu.memory_space<vmem>> -> memref<8x24x128xi32, #tpu.memory_space<vmem>>
    %dma_wait3A_112 = arith.constant 16 : i32
    %dma_wait3A_113 = arith.constant 0 : i32
    %dma_wait3A_114 = tpu.memref_slice %arg2[%shift_right_arithmetic3A_1, %dma_wait3A_112, %multiple_of3A, %dma_wait3A_113] : memref<2x128x128x128xi32, #tpu.memory_space<hbm>> -> memref<1x8x24x128xi32, #tpu.memory_space<hbm>>
    %dma_wait3A_115 = tpu.memref_squeeze %dma_wait3A_114 : memref<1x8x24x128xi32, #tpu.memory_space<hbm>> -> memref<8x24x128xi32, #tpu.memory_space<hbm>>
    %dma_wait3A_116 = arith.constant 16 : i32
    %dma_wait3A_117 = arith.constant 0 : i32
    %dma_wait3A_118 = arith.constant 0 : i32
    %dma_wait3A_119 = tpu.memref_slice %arg5[%dma_wait3A_116, %dma_wait3A_117, %dma_wait3A_118] : memref<32x24x128xi32, #tpu.memory_space<vmem>> -> memref<8x24x128xi32, #tpu.memory_space<vmem>>
    %dma_wait3A_120 = arith.constant 16 : i32
    %dma_wait3A_121 = arith.constant 0 : i32
    %dma_wait3A_122 = tpu.memref_slice %arg2[%shift_right_arithmetic3A_1, %dma_wait3A_120, %multiple_of3A, %dma_wait3A_121] : memref<2x128x128x128xi32, #tpu.memory_space<hbm>> -> memref<1x8x24x128xi32, #tpu.memory_space<hbm>>
    %dma_wait3A_123 = tpu.memref_squeeze %dma_wait3A_122 : memref<1x8x24x128xi32, #tpu.memory_space<hbm>> -> memref<8x24x128xi32, #tpu.memory_space<hbm>>
    tpu.wait_dma2 semaphore(%arg8 : memref<!tpu.dma_semaphore, #tpu.memory_space<semaphore_mem>>) src(%dma_wait3A_123 : memref<8x24x128xi32, #tpu.memory_space<hbm>>) dst(%dma_wait3A_119 : memref<8x24x128xi32, #tpu.memory_space<vmem>>)
    %scan3A = arith.constant 0 : i32
    %scan3A_124 = arith.constant 0 : i32
    %scan3A_125 = arith.constant 64 : i32
    %scan3A_126 = arith.addi %scan3A_124, %scan3A_125 : i32
    %scan3A_127 = arith.constant 1 : i32
    scf.for %scan3A_175 = %scan3A_124 to %scan3A_126 step %scan3A_127  : i32 {
      %shift_right_arithmetic3A_176 = arith.constant 2 : i32
      %shift_right_arithmetic3A_177 = arith.shrsi %scan3A_175, %shift_right_arithmetic3A_176 : i32
      %and3A_178 = arith.constant 3 : i32
      %and3A_179 = arith.andi %scan3A_175, %and3A_178 : i32
      %eq3A = arith.constant 0 : i32
      %eq3A_180 = arith.cmpi eq, %and3A_179, %eq3A : i32
      %convert_element_type3A_181 = arith.extui %eq3A_180 : i1 to i32
      %cond3A = arith.constant 0 : i32
      %cond3A_182 = arith.cmpi ne, %convert_element_type3A_181, %cond3A : i32
      scf.if %cond3A_182 {
        %ge3A_245 = arith.constant 1 : i32
        %ge3A_246 = arith.cmpi sge, %shift_right_arithmetic3A_177, %ge3A_245 : i32
        %le3A = arith.constant 13 : i32
        %le3A_247 = arith.cmpi sle, %shift_right_arithmetic3A_177, %le3A : i32
        %and3A_248 = arith.andi %ge3A_246, %le3A_247 : i1
        %convert_element_type3A_249 = arith.extui %and3A_248 : i1 to i32
        %cond3A_250 = arith.constant 0 : i32
        %cond3A_251 = arith.cmpi ne, %convert_element_type3A_249, %cond3A_250 : i32
        scf.if %cond3A_251 {
          %add3A_260 = arith.constant 2 : i32
          %add3A_261 = arith.addi %shift_right_arithmetic3A_177, %add3A_260 : i32
          %mul3A_262 = arith.constant 8 : i32
          %mul3A_263 = arith.muli %add3A_261, %mul3A_262 : i32
          %and3A_264 = arith.constant 3 : i32
          %and3A_265 = arith.andi %add3A_261, %and3A_264 : i32
          %mul3A_266 = arith.constant 8 : i32
          %mul3A_267 = arith.muli %and3A_265, %mul3A_266 : i32
          %dma_start3A_268 = arith.constant 0 : i32
          %dma_start3A_269 = arith.constant 0 : i32
          %dma_start3A_270 = tpu.memref_slice %arg5[%mul3A_267, %dma_start3A_268, %dma_start3A_269] : memref<32x24x128xi32, #tpu.memory_space<vmem>> -> memref<8x24x128xi32, #tpu.memory_space<vmem>>
          %dma_start3A_271 = arith.constant 0 : i32
          %dma_start3A_272 = tpu.memref_slice %arg2[%shift_right_arithmetic3A_1, %mul3A_263, %multiple_of3A, %dma_start3A_271] : memref<2x128x128x128xi32, #tpu.memory_space<hbm>> -> memref<1x8x24x128xi32, #tpu.memory_space<hbm>>
          %dma_start3A_273 = tpu.memref_squeeze %dma_start3A_272 : memref<1x8x24x128xi32, #tpu.memory_space<hbm>> -> memref<8x24x128xi32, #tpu.memory_space<hbm>>
          %dma_start3A_274 = arith.constant 0 : i32
          %dma_start3A_275 = arith.constant 0 : i32
          %dma_start3A_276 = tpu.memref_slice %arg5[%mul3A_267, %dma_start3A_274, %dma_start3A_275] : memref<32x24x128xi32, #tpu.memory_space<vmem>> -> memref<8x24x128xi32, #tpu.memory_space<vmem>>
          %dma_start3A_277 = arith.constant 0 : i32
          %dma_start3A_278 = tpu.memref_slice %arg2[%shift_right_arithmetic3A_1, %mul3A_263, %multiple_of3A, %dma_start3A_277] : memref<2x128x128x128xi32, #tpu.memory_space<hbm>> -> memref<1x8x24x128xi32, #tpu.memory_space<hbm>>
          %dma_start3A_279 = tpu.memref_squeeze %dma_start3A_278 : memref<1x8x24x128xi32, #tpu.memory_space<hbm>> -> memref<8x24x128xi32, #tpu.memory_space<hbm>>
          tpu.enqueue_dma source(%dma_start3A_279 : memref<8x24x128xi32, #tpu.memory_space<hbm>>) target(%dma_start3A_276 : memref<8x24x128xi32, #tpu.memory_space<vmem>>) target_semaphore(%arg8 : memref<!tpu.dma_semaphore, #tpu.memory_space<semaphore_mem>>)
        } else {
        }
        %ge3A_252 = arith.constant 2 : i32
        %ge3A_253 = arith.cmpi sge, %shift_right_arithmetic3A_177, %ge3A_252 : i32
        %le3A_254 = arith.constant 14 : i32
        %le3A_255 = arith.cmpi sle, %shift_right_arithmetic3A_177, %le3A_254 : i32
        %and3A_256 = arith.andi %ge3A_253, %le3A_255 : i1
        %convert_element_type3A_257 = arith.extui %and3A_256 : i1 to i32
        %cond3A_258 = arith.constant 0 : i32
        %cond3A_259 = arith.cmpi ne, %convert_element_type3A_257, %cond3A_258 : i32
        scf.if %cond3A_259 {
          %add3A_260 = arith.constant 1 : i32
          %add3A_261 = arith.addi %shift_right_arithmetic3A_177, %add3A_260 : i32
          %mul3A_262 = arith.constant 8 : i32
          %mul3A_263 = arith.muli %add3A_261, %mul3A_262 : i32
          %and3A_264 = arith.constant 3 : i32
          %and3A_265 = arith.andi %add3A_261, %and3A_264 : i32
          %mul3A_266 = arith.constant 8 : i32
          %mul3A_267 = arith.muli %and3A_265, %mul3A_266 : i32
          %dma_wait3A_268 = arith.constant 0 : i32
          %dma_wait3A_269 = arith.constant 0 : i32
          %dma_wait3A_270 = tpu.memref_slice %arg5[%mul3A_267, %dma_wait3A_268, %dma_wait3A_269] : memref<32x24x128xi32, #tpu.memory_space<vmem>> -> memref<8x24x128xi32, #tpu.memory_space<vmem>>
          %dma_wait3A_271 = arith.constant 0 : i32
          %dma_wait3A_272 = tpu.memref_slice %arg2[%shift_right_arithmetic3A_1, %mul3A_263, %multiple_of3A, %dma_wait3A_271] : memref<2x128x128x128xi32, #tpu.memory_space<hbm>> -> memref<1x8x24x128xi32, #tpu.memory_space<hbm>>
          %dma_wait3A_273 = tpu.memref_squeeze %dma_wait3A_272 : memref<1x8x24x128xi32, #tpu.memory_space<hbm>> -> memref<8x24x128xi32, #tpu.memory_space<hbm>>
          %dma_wait3A_274 = arith.constant 0 : i32
          %dma_wait3A_275 = arith.constant 0 : i32
          %dma_wait3A_276 = tpu.memref_slice %arg5[%mul3A_267, %dma_wait3A_274, %dma_wait3A_275] : memref<32x24x128xi32, #tpu.memory_space<vmem>> -> memref<8x24x128xi32, #tpu.memory_space<vmem>>
          %dma_wait3A_277 = arith.constant 0 : i32
          %dma_wait3A_278 = tpu.memref_slice %arg2[%shift_right_arithmetic3A_1, %mul3A_263, %multiple_of3A, %dma_wait3A_277] : memref<2x128x128x128xi32, #tpu.memory_space<hbm>> -> memref<1x8x24x128xi32, #tpu.memory_space<hbm>>
          %dma_wait3A_279 = tpu.memref_squeeze %dma_wait3A_278 : memref<1x8x24x128xi32, #tpu.memory_space<hbm>> -> memref<8x24x128xi32, #tpu.memory_space<hbm>>
          tpu.wait_dma2 semaphore(%arg8 : memref<!tpu.dma_semaphore, #tpu.memory_space<semaphore_mem>>) src(%dma_wait3A_279 : memref<8x24x128xi32, #tpu.memory_space<hbm>>) dst(%dma_wait3A_276 : memref<8x24x128xi32, #tpu.memory_space<vmem>>)
        } else {
        }
      } else {
      }
      %mul3A_183 = arith.constant 2 : i32
      %mul3A_184 = arith.muli %mul3A_183, %scan3A_175 : i32
      %and3A_185 = arith.constant 1 : i32
      %and3A_186 = arith.andi %scan3A_175, %and3A_185 : i32
      %dma_wait3A_187 = arith.constant 0 : i32
      %dma_wait3A_188 = arith.constant 0 : i32
      %dma_wait3A_189 = arith.constant 0 : i32
      %dma_wait3A_190 = arith.constant 0 : i32
      %dma_wait3A_191 = tpu.memref_slice %arg6[%and3A_186, %dma_wait3A_187, %dma_wait3A_188, %dma_wait3A_189, %dma_wait3A_190] : memref<2x3x2x8x128xf32, #tpu.memory_space<vmem>> -> memref<1x3x2x8x128xf32, #tpu.memory_space<vmem>>
      %dma_wait3A_192 = tpu.memref_squeeze %dma_wait3A_191 : memref<1x3x2x8x128xf32, #tpu.memory_space<vmem>> -> memref<3x2x8x128xf32, #tpu.memory_space<vmem>>
      %dma_wait3A_193 = arith.constant 0 : i32
      %dma_wait3A_194 = arith.constant 0 : i32
      %dma_wait3A_195 = tpu.memref_slice %arg3[%shift_right_arithmetic3A_1, %dma_wait3A_193, %mul3A_184, %mul3A_4, %dma_wait3A_194] : memref<2x3x128x128x128xf32, #tpu.memory_space<hbm>> -> memref<1x3x2x8x128xf32, #tpu.memory_space<hbm>>
      %dma_wait3A_196 = tpu.memref_squeeze %dma_wait3A_195 : memref<1x3x2x8x128xf32, #tpu.memory_space<hbm>> -> memref<3x2x8x128xf32, #tpu.memory_space<hbm>>
      %dma_wait3A_197 = arith.constant 0 : i32
      %dma_wait3A_198 = arith.constant 0 : i32
      %dma_wait3A_199 = arith.constant 0 : i32
      %dma_wait3A_200 = arith.constant 0 : i32
      %dma_wait3A_201 = tpu.memref_slice %arg6[%and3A_186, %dma_wait3A_197, %dma_wait3A_198, %dma_wait3A_199, %dma_wait3A_200] : memref<2x3x2x8x128xf32, #tpu.memory_space<vmem>> -> memref<1x3x2x8x128xf32, #tpu.memory_space<vmem>>
      %dma_wait3A_202 = tpu.memref_squeeze %dma_wait3A_201 : memref<1x3x2x8x128xf32, #tpu.memory_space<vmem>> -> memref<3x2x8x128xf32, #tpu.memory_space<vmem>>
      %dma_wait3A_203 = arith.constant 0 : i32
      %dma_wait3A_204 = arith.constant 0 : i32
      %dma_wait3A_205 = tpu.memref_slice %arg3[%shift_right_arithmetic3A_1, %dma_wait3A_203, %mul3A_184, %mul3A_4, %dma_wait3A_204] : memref<2x3x128x128x128xf32, #tpu.memory_space<hbm>> -> memref<1x3x2x8x128xf32, #tpu.memory_space<hbm>>
      %dma_wait3A_206 = tpu.memref_squeeze %dma_wait3A_205 : memref<1x3x2x8x128xf32, #tpu.memory_space<hbm>> -> memref<3x2x8x128xf32, #tpu.memory_space<hbm>>
      tpu.wait_dma2 semaphore(%arg9 : memref<!tpu.dma_semaphore, #tpu.memory_space<semaphore_mem>>) src(%dma_wait3A_206 : memref<3x2x8x128xf32, #tpu.memory_space<hbm>>) dst(%dma_wait3A_202 : memref<3x2x8x128xf32, #tpu.memory_space<vmem>>)
      %lt3A = arith.constant 63 : i32
      %lt3A_207 = arith.cmpi slt, %scan3A_175, %lt3A : i32
      %convert_element_type3A_208 = arith.extui %lt3A_207 : i1 to i32
      %cond3A_209 = arith.constant 0 : i32
      %cond3A_210 = arith.cmpi ne, %convert_element_type3A_208, %cond3A_209 : i32
      scf.if %cond3A_210 {
        %add3A_245 = arith.constant 1 : i32
        %add3A_246 = arith.addi %scan3A_175, %add3A_245 : i32
        %mul3A_247 = arith.constant 2 : i32
        %mul3A_248 = arith.muli %mul3A_247, %add3A_246 : i32
        %and3A_249 = arith.constant 1 : i32
        %and3A_250 = arith.andi %add3A_246, %and3A_249 : i32
        %dma_start3A_251 = arith.constant 0 : i32
        %dma_start3A_252 = arith.constant 0 : i32
        %dma_start3A_253 = arith.constant 0 : i32
        %dma_start3A_254 = arith.constant 0 : i32
        %dma_start3A_255 = tpu.memref_slice %arg6[%and3A_250, %dma_start3A_251, %dma_start3A_252, %dma_start3A_253, %dma_start3A_254] : memref<2x3x2x8x128xf32, #tpu.memory_space<vmem>> -> memref<1x3x2x8x128xf32, #tpu.memory_space<vmem>>
        %dma_start3A_256 = tpu.memref_squeeze %dma_start3A_255 : memref<1x3x2x8x128xf32, #tpu.memory_space<vmem>> -> memref<3x2x8x128xf32, #tpu.memory_space<vmem>>
        %dma_start3A_257 = arith.constant 0 : i32
        %dma_start3A_258 = arith.constant 0 : i32
        %dma_start3A_259 = tpu.memref_slice %arg3[%shift_right_arithmetic3A_1, %dma_start3A_257, %mul3A_248, %mul3A_4, %dma_start3A_258] : memref<2x3x128x128x128xf32, #tpu.memory_space<hbm>> -> memref<1x3x2x8x128xf32, #tpu.memory_space<hbm>>
        %dma_start3A_260 = tpu.memref_squeeze %dma_start3A_259 : memref<1x3x2x8x128xf32, #tpu.memory_space<hbm>> -> memref<3x2x8x128xf32, #tpu.memory_space<hbm>>
        %dma_start3A_261 = arith.constant 0 : i32
        %dma_start3A_262 = arith.constant 0 : i32
        %dma_start3A_263 = arith.constant 0 : i32
        %dma_start3A_264 = arith.constant 0 : i32
        %dma_start3A_265 = tpu.memref_slice %arg6[%and3A_250, %dma_start3A_261, %dma_start3A_262, %dma_start3A_263, %dma_start3A_264] : memref<2x3x2x8x128xf32, #tpu.memory_space<vmem>> -> memref<1x3x2x8x128xf32, #tpu.memory_space<vmem>>
        %dma_start3A_266 = tpu.memref_squeeze %dma_start3A_265 : memref<1x3x2x8x128xf32, #tpu.memory_space<vmem>> -> memref<3x2x8x128xf32, #tpu.memory_space<vmem>>
        %dma_start3A_267 = arith.constant 0 : i32
        %dma_start3A_268 = arith.constant 0 : i32
        %dma_start3A_269 = tpu.memref_slice %arg3[%shift_right_arithmetic3A_1, %dma_start3A_267, %mul3A_248, %mul3A_4, %dma_start3A_268] : memref<2x3x128x128x128xf32, #tpu.memory_space<hbm>> -> memref<1x3x2x8x128xf32, #tpu.memory_space<hbm>>
        %dma_start3A_270 = tpu.memref_squeeze %dma_start3A_269 : memref<1x3x2x8x128xf32, #tpu.memory_space<hbm>> -> memref<3x2x8x128xf32, #tpu.memory_space<hbm>>
        tpu.enqueue_dma source(%dma_start3A_270 : memref<3x2x8x128xf32, #tpu.memory_space<hbm>>) target(%dma_start3A_266 : memref<3x2x8x128xf32, #tpu.memory_space<vmem>>) target_semaphore(%arg9 : memref<!tpu.dma_semaphore, #tpu.memory_space<semaphore_mem>>)
      } else {
      }
      %ge3A = arith.constant 2 : i32
      %ge3A_211 = arith.cmpi sge, %scan3A_175, %ge3A : i32
      %convert_element_type3A_212 = arith.extui %ge3A_211 : i1 to i32
      %cond3A_213 = arith.constant 0 : i32
      %cond3A_214 = arith.cmpi ne, %convert_element_type3A_212, %cond3A_213 : i32
      scf.if %cond3A_214 {
        %sub3A_245 = arith.constant 2 : i32
        %sub3A_246 = arith.subi %scan3A_175, %sub3A_245 : i32
        %and3A_247 = arith.constant 1 : i32
        %and3A_248 = arith.andi %sub3A_246, %and3A_247 : i32
        %mul3A_249 = arith.constant 2 : i32
        %mul3A_250 = arith.muli %mul3A_249, %sub3A_246 : i32
        %dma_wait3A_251 = arith.constant 0 : i32
        %dma_wait3A_252 = arith.constant 0 : i32
        %dma_wait3A_253 = arith.constant 0 : i32
        %dma_wait3A_254 = arith.constant 0 : i32
        %dma_wait3A_255 = tpu.memref_slice %arg7[%and3A_248, %dma_wait3A_251, %dma_wait3A_252, %dma_wait3A_253, %dma_wait3A_254] : memref<2x2x2x8x128xf32, #tpu.memory_space<vmem>> -> memref<1x2x2x8x128xf32, #tpu.memory_space<vmem>>
        %dma_wait3A_256 = tpu.memref_squeeze %dma_wait3A_255 : memref<1x2x2x8x128xf32, #tpu.memory_space<vmem>> -> memref<2x2x8x128xf32, #tpu.memory_space<vmem>>
        %dma_wait3A_257 = arith.constant 0 : i32
        %dma_wait3A_258 = arith.constant 0 : i32
        %dma_wait3A_259 = tpu.memref_slice %arg4[%shift_right_arithmetic3A_1, %dma_wait3A_257, %mul3A_250, %mul3A_4, %dma_wait3A_258] : memref<2x2x128x128x128xf32, #tpu.memory_space<hbm>> -> memref<1x2x2x8x128xf32, #tpu.memory_space<hbm>>
        %dma_wait3A_260 = tpu.memref_squeeze %dma_wait3A_259 : memref<1x2x2x8x128xf32, #tpu.memory_space<hbm>> -> memref<2x2x8x128xf32, #tpu.memory_space<hbm>>
        %dma_wait3A_261 = arith.constant 0 : i32
        %dma_wait3A_262 = arith.constant 0 : i32
        %dma_wait3A_263 = tpu.memref_slice %arg4[%shift_right_arithmetic3A_1, %dma_wait3A_261, %mul3A_250, %mul3A_4, %dma_wait3A_262] : memref<2x2x128x128x128xf32, #tpu.memory_space<hbm>> -> memref<1x2x2x8x128xf32, #tpu.memory_space<hbm>>
        %dma_wait3A_264 = tpu.memref_squeeze %dma_wait3A_263 : memref<1x2x2x8x128xf32, #tpu.memory_space<hbm>> -> memref<2x2x8x128xf32, #tpu.memory_space<hbm>>
        %dma_wait3A_265 = arith.constant 0 : i32
        %dma_wait3A_266 = arith.constant 0 : i32
        %dma_wait3A_267 = arith.constant 0 : i32
        %dma_wait3A_268 = arith.constant 0 : i32
        %dma_wait3A_269 = tpu.memref_slice %arg7[%and3A_248, %dma_wait3A_265, %dma_wait3A_266, %dma_wait3A_267, %dma_wait3A_268] : memref<2x2x2x8x128xf32, #tpu.memory_space<vmem>> -> memref<1x2x2x8x128xf32, #tpu.memory_space<vmem>>
        %dma_wait3A_270 = tpu.memref_squeeze %dma_wait3A_269 : memref<1x2x2x8x128xf32, #tpu.memory_space<vmem>> -> memref<2x2x8x128xf32, #tpu.memory_space<vmem>>
        tpu.wait_dma2 semaphore(%arg10 : memref<!tpu.dma_semaphore, #tpu.memory_space<semaphore_mem>>) src(%dma_wait3A_270 : memref<2x2x8x128xf32, #tpu.memory_space<vmem>>) dst(%dma_wait3A_264 : memref<2x2x8x128xf32, #tpu.memory_space<hbm>>)
      } else {
      }
      %and3A_215 = arith.constant 1 : i32
      %and3A_216 = arith.andi %scan3A_175, %and3A_215 : i32
      %mul3A_217 = arith.constant 2 : i32
      %mul3A_218 = arith.muli %mul3A_217, %scan3A_175 : i32
      %parallel_loop3A = arith.constant 0 : i32
      %parallel_loop3A_219 = arith.constant 128 : i32
      %parallel_loop3A_220 = arith.constant 1 : i32
      scf.for %parallel_loop3A_245 = %parallel_loop3A to %parallel_loop3A_219 step %parallel_loop3A_220  : i32 {
        %parallel_loop3A_246 = arith.constant 6 : i32
        %parallel_loop3A_247 = arith.shrsi %parallel_loop3A_245, %parallel_loop3A_246 : i32
        %parallel_loop3A_248 = arith.constant 3 : i32
        %parallel_loop3A_249 = arith.shrsi %parallel_loop3A_245, %parallel_loop3A_248 : i32
        %parallel_loop3A_250 = arith.constant 7 : i32
        %parallel_loop3A_251 = arith.andi %parallel_loop3A_249, %parallel_loop3A_250 : i32
        %parallel_loop3A_252 = arith.constant 7 : i32
        %parallel_loop3A_253 = arith.andi %parallel_loop3A_245, %parallel_loop3A_252 : i32
        %parallel_loop3A_254 = arith.constant 16 : i32
        %parallel_loop3A_255 = arith.muli %parallel_loop3A_253, %parallel_loop3A_254 : i32
        %parallel_loop3A_256 = arith.constant 0 : i32
        %parallel_loop3A_257 = arith.index_cast %and3A_216 : i32 to index
        %parallel_loop3A_258 = arith.index_cast %parallel_loop3A_256 : i32 to index
        %parallel_loop3A_259 = arith.index_cast %parallel_loop3A_247 : i32 to index
        %parallel_loop3A_260 = arith.index_cast %parallel_loop3A_251 : i32 to index
        %parallel_loop3A_261 = arith.index_cast %parallel_loop3A_255 : i32 to index
        %parallel_loop3A_262 = tpu.vector_load %arg6[%parallel_loop3A_257, %parallel_loop3A_258, %parallel_loop3A_259, %parallel_loop3A_260, %parallel_loop3A_261] {strides = array<i32>} : memref<2x3x2x8x128xf32, #tpu.memory_space<vmem>>, vector<16xf32>,
        %parallel_loop3A_263 = arith.constant 1 : i32
        %parallel_loop3A_264 = arith.index_cast %and3A_216 : i32 to index
        %parallel_loop3A_265 = arith.index_cast %parallel_loop3A_263 : i32 to index
        %parallel_loop3A_266 = arith.index_cast %parallel_loop3A_247 : i32 to index
        %parallel_loop3A_267 = arith.index_cast %parallel_loop3A_251 : i32 to index
        %parallel_loop3A_268 = arith.index_cast %parallel_loop3A_255 : i32 to index
        %parallel_loop3A_269 = tpu.vector_load %arg6[%parallel_loop3A_264, %parallel_loop3A_265, %parallel_loop3A_266, %parallel_loop3A_267, %parallel_loop3A_268] {strides = array<i32>} : memref<2x3x2x8x128xf32, #tpu.memory_space<vmem>>, vector<16xf32>,
        %parallel_loop3A_270 = arith.constant 2 : i32
        %parallel_loop3A_271 = arith.index_cast %and3A_216 : i32 to index
        %parallel_loop3A_272 = arith.index_cast %parallel_loop3A_270 : i32 to index
        %parallel_loop3A_273 = arith.index_cast %parallel_loop3A_247 : i32 to index
        %parallel_loop3A_274 = arith.index_cast %parallel_loop3A_251 : i32 to index
        %parallel_loop3A_275 = arith.index_cast %parallel_loop3A_255 : i32 to index
        %parallel_loop3A_276 = tpu.vector_load %arg6[%parallel_loop3A_271, %parallel_loop3A_272, %parallel_loop3A_273, %parallel_loop3A_274, %parallel_loop3A_275] {strides = array<i32>} : memref<2x3x2x8x128xf32, #tpu.memory_space<vmem>>, vector<16xf32>,
        %parallel_loop3A_277 = arith.sitofp %parallel_loop3A_255 : i32 to f32
        %parallel_loop3A_278 = vector.broadcast %parallel_loop3A_277 : f32 to vector<16xf32>
        %parallel_loop3A_279 = arith.addf %parallel_loop3A_278, %convert_element_type3A : vector<16xf32>
        %parallel_loop3A_280 = arith.addf %parallel_loop3A_279, %parallel_loop3A_262 : vector<16xf32>
        %parallel_loop3A_281 = arith.constant 0.000000e+00 : f32
        %parallel_loop3A_282 = arith.constant 1.270000e+02 : f32
        %parallel_loop3A_283 = vector.broadcast %parallel_loop3A_281 : f32 to vector<16xf32>
        %parallel_loop3A_284 = arith.maximumf %parallel_loop3A_283, %parallel_loop3A_280 : vector<16xf32>
        %parallel_loop3A_285 = vector.broadcast %parallel_loop3A_282 : f32 to vector<16xf32>
        %parallel_loop3A_286 = arith.minimumf %parallel_loop3A_285, %parallel_loop3A_284 : vector<16xf32>
        %parallel_loop3A_287 = arith.fptosi %parallel_loop3A_286 : vector<16xf32> to vector<16xi32>
        %parallel_loop3A_288 = arith.sitofp %parallel_loop3A_287 : vector<16xi32> to vector<16xf32>
        %parallel_loop3A_289 = arith.subf %parallel_loop3A_286, %parallel_loop3A_288 : vector<16xf32>
        %parallel_loop3A_290 = arith.constant 1 : i32
        %parallel_loop3A_291 = vector.broadcast %parallel_loop3A_290 : i32 to vector<16xi32>
        %parallel_loop3A_292 = arith.addi %parallel_loop3A_287, %parallel_loop3A_291 : vector<16xi32>
        %parallel_loop3A_293 = arith.constant 127 : i32
        %parallel_loop3A_294 = vector.broadcast %parallel_loop3A_293 : i32 to vector<16xi32>
        %parallel_loop3A_295 = arith.minui %parallel_loop3A_292, %parallel_loop3A_294 : vector<16xi32>
        %parallel_loop3A_296 = arith.addi %mul3A_4, %parallel_loop3A_251 : i32
        %parallel_loop3A_297 = arith.sitofp %parallel_loop3A_296 : i32 to f32
        %parallel_loop3A_298 = vector.broadcast %parallel_loop3A_297 : f32 to vector<16xf32>
        %parallel_loop3A_299 = arith.addf %parallel_loop3A_298, %parallel_loop3A_269 : vector<16xf32>
        %parallel_loop3A_300 = arith.constant 0.000000e+00 : f32
        %parallel_loop3A_301 = arith.constant 1.270000e+02 : f32
        %parallel_loop3A_302 = vector.broadcast %parallel_loop3A_300 : f32 to vector<16xf32>
        %parallel_loop3A_303 = arith.maximumf %parallel_loop3A_302, %parallel_loop3A_299 : vector<16xf32>
        %parallel_loop3A_304 = vector.broadcast %parallel_loop3A_301 : f32 to vector<16xf32>
        %parallel_loop3A_305 = arith.minimumf %parallel_loop3A_304, %parallel_loop3A_303 : vector<16xf32>
        %parallel_loop3A_306 = arith.fptosi %parallel_loop3A_305 : vector<16xf32> to vector<16xi32>
        %parallel_loop3A_307 = arith.sitofp %parallel_loop3A_306 : vector<16xi32> to vector<16xf32>
        %parallel_loop3A_308 = arith.subf %parallel_loop3A_305, %parallel_loop3A_307 : vector<16xf32>
        %parallel_loop3A_309 = vector.broadcast %multiple_of3A : i32 to vector<16xi32>
        %parallel_loop3A_310 = arith.subi %parallel_loop3A_306, %parallel_loop3A_309 : vector<16xi32>
        %parallel_loop3A_311 = arith.constant 1 : i32
        %parallel_loop3A_312 = vector.broadcast %parallel_loop3A_311 : i32 to vector<16xi32>
        %parallel_loop3A_313 = arith.addi %parallel_loop3A_306, %parallel_loop3A_312 : vector<16xi32>
        %parallel_loop3A_314 = arith.constant 127 : i32
        %parallel_loop3A_315 = vector.broadcast %parallel_loop3A_314 : i32 to vector<16xi32>
        %parallel_loop3A_316 = arith.minui %parallel_loop3A_313, %parallel_loop3A_315 : vector<16xi32>
        %parallel_loop3A_317 = vector.broadcast %multiple_of3A : i32 to vector<16xi32>
        %parallel_loop3A_318 = arith.subi %parallel_loop3A_316, %parallel_loop3A_317 : vector<16xi32>
        %parallel_loop3A_319 = arith.addi %mul3A_218, %parallel_loop3A_247 : i32
        %parallel_loop3A_320 = arith.sitofp %parallel_loop3A_319 : i32 to f32
        %parallel_loop3A_321 = vector.broadcast %parallel_loop3A_320 : f32 to vector<16xf32>
        %parallel_loop3A_322 = arith.addf %parallel_loop3A_321, %parallel_loop3A_276 : vector<16xf32>
        %parallel_loop3A_323 = arith.constant 0.000000e+00 : f32
        %parallel_loop3A_324 = arith.constant 1.270000e+02 : f32
        %parallel_loop3A_325 = vector.broadcast %parallel_loop3A_323 : f32 to vector<16xf32>
        %parallel_loop3A_326 = arith.maximumf %parallel_loop3A_325, %parallel_loop3A_322 : vector<16xf32>
        %parallel_loop3A_327 = vector.broadcast %parallel_loop3A_324 : f32 to vector<16xf32>
        %parallel_loop3A_328 = arith.minimumf %parallel_loop3A_327, %parallel_loop3A_326 : vector<16xf32>
        %parallel_loop3A_329 = arith.fptosi %parallel_loop3A_328 : vector<16xf32> to vector<16xi32>
        %parallel_loop3A_330 = arith.sitofp %parallel_loop3A_329 : vector<16xi32> to vector<16xf32>
        %parallel_loop3A_331 = arith.subf %parallel_loop3A_328, %parallel_loop3A_330 : vector<16xf32>
        %parallel_loop3A_332 = arith.constant 31 : i32
        %parallel_loop3A_333 = vector.broadcast %parallel_loop3A_332 : i32 to vector<16xi32>
        %parallel_loop3A_334 = arith.andi %parallel_loop3A_329, %parallel_loop3A_333 : vector<16xi32>
        %parallel_loop3A_335 = arith.constant 1 : i32
        %parallel_loop3A_336 = vector.broadcast %parallel_loop3A_335 : i32 to vector<16xi32>
        %parallel_loop3A_337 = arith.addi %parallel_loop3A_329, %parallel_loop3A_336 : vector<16xi32>
        %parallel_loop3A_338 = arith.constant 127 : i32
        %parallel_loop3A_339 = vector.broadcast %parallel_loop3A_338 : i32 to vector<16xi32>
        %parallel_loop3A_340 = arith.minui %parallel_loop3A_337, %parallel_loop3A_339 : vector<16xi32>
        %parallel_loop3A_341 = arith.constant 31 : i32
        %parallel_loop3A_342 = vector.broadcast %parallel_loop3A_341 : i32 to vector<16xi32>
        %parallel_loop3A_343 = arith.andi %parallel_loop3A_340, %parallel_loop3A_342 : vector<16xi32>
        %parallel_loop3A_344 = tpu.vector_load_idx %arg5[%parallel_loop3A_334, %parallel_loop3A_310, %parallel_loop3A_287] : memref<32x24x128xi32, #tpu.memory_space<vmem>>[vector<16xi32>, vector<16xi32>, vector<16xi32>], vector<16xi32>,
        %parallel_loop3A_345 = tpu.vector_load_idx %arg5[%parallel_loop3A_334, %parallel_loop3A_310, %parallel_loop3A_295] : memref<32x24x128xi32, #tpu.memory_space<vmem>>[vector<16xi32>, vector<16xi32>, vector<16xi32>], vector<16xi32>,
        %parallel_loop3A_346 = tpu.vector_load_idx %arg5[%parallel_loop3A_334, %parallel_loop3A_318, %parallel_loop3A_287] : memref<32x24x128xi32, #tpu.memory_space<vmem>>[vector<16xi32>, vector<16xi32>, vector<16xi32>], vector<16xi32>,
        %parallel_loop3A_347 = tpu.vector_load_idx %arg5[%parallel_loop3A_334, %parallel_loop3A_318, %parallel_loop3A_295] : memref<32x24x128xi32, #tpu.memory_space<vmem>>[vector<16xi32>, vector<16xi32>, vector<16xi32>], vector<16xi32>,
        %parallel_loop3A_348 = tpu.vector_load_idx %arg5[%parallel_loop3A_343, %parallel_loop3A_310, %parallel_loop3A_287] : memref<32x24x128xi32, #tpu.memory_space<vmem>>[vector<16xi32>, vector<16xi32>, vector<16xi32>], vector<16xi32>,
        %parallel_loop3A_349 = tpu.vector_load_idx %arg5[%parallel_loop3A_343, %parallel_loop3A_310, %parallel_loop3A_295] : memref<32x24x128xi32, #tpu.memory_space<vmem>>[vector<16xi32>, vector<16xi32>, vector<16xi32>], vector<16xi32>,
        %parallel_loop3A_350 = tpu.vector_load_idx %arg5[%parallel_loop3A_343, %parallel_loop3A_318, %parallel_loop3A_287] : memref<32x24x128xi32, #tpu.memory_space<vmem>>[vector<16xi32>, vector<16xi32>, vector<16xi32>], vector<16xi32>,
        %parallel_loop3A_351 = tpu.vector_load_idx %arg5[%parallel_loop3A_343, %parallel_loop3A_318, %parallel_loop3A_295] : memref<32x24x128xi32, #tpu.memory_space<vmem>>[vector<16xi32>, vector<16xi32>, vector<16xi32>], vector<16xi32>,
        %parallel_loop3A_352 = tpu.pack_subelements %parallel_loop3A_289, %parallel_loop3A_289 {pack_format = #tpu.pack_format<interleaved>, positions = array<i32: 0, 1>} : vector<16xf32>, vector<16xf32> -> vector<32xbf16>
        %parallel_loop3A_353 = tpu.pack_subelements %parallel_loop3A_308, %parallel_loop3A_308 {pack_format = #tpu.pack_format<interleaved>, positions = array<i32: 0, 1>} : vector<16xf32>, vector<16xf32> -> vector<32xbf16>
        %parallel_loop3A_354 = tpu.pack_subelements %parallel_loop3A_331, %parallel_loop3A_331 {pack_format = #tpu.pack_format<interleaved>, positions = array<i32: 0, 1>} : vector<16xf32>, vector<16xf32> -> vector<32xbf16>
        %parallel_loop3A_355 = vector.bitcast %parallel_loop3A_344 : vector<16xi32> to vector<32xbf16>
        %parallel_loop3A_356 = vector.bitcast %parallel_loop3A_345 : vector<16xi32> to vector<32xbf16>
        %parallel_loop3A_357 = vector.bitcast %parallel_loop3A_346 : vector<16xi32> to vector<32xbf16>
        %parallel_loop3A_358 = vector.bitcast %parallel_loop3A_347 : vector<16xi32> to vector<32xbf16>
        %parallel_loop3A_359 = vector.bitcast %parallel_loop3A_348 : vector<16xi32> to vector<32xbf16>
        %parallel_loop3A_360 = vector.bitcast %parallel_loop3A_349 : vector<16xi32> to vector<32xbf16>
        %parallel_loop3A_361 = vector.bitcast %parallel_loop3A_350 : vector<16xi32> to vector<32xbf16>
        %parallel_loop3A_362 = vector.bitcast %parallel_loop3A_351 : vector<16xi32> to vector<32xbf16>
        %parallel_loop3A_363 = arith.subf %parallel_loop3A_356, %parallel_loop3A_355 : vector<32xbf16>
        %parallel_loop3A_364 = arith.mulf %parallel_loop3A_352, %parallel_loop3A_363 : vector<32xbf16>
        %parallel_loop3A_365 = arith.addf %parallel_loop3A_355, %parallel_loop3A_364 : vector<32xbf16>
        %parallel_loop3A_366 = arith.subf %parallel_loop3A_358, %parallel_loop3A_357 : vector<32xbf16>
        %parallel_loop3A_367 = arith.mulf %parallel_loop3A_352, %parallel_loop3A_366 : vector<32xbf16>
        %parallel_loop3A_368 = arith.addf %parallel_loop3A_357, %parallel_loop3A_367 : vector<32xbf16>
        %parallel_loop3A_369 = arith.subf %parallel_loop3A_360, %parallel_loop3A_359 : vector<32xbf16>
        %parallel_loop3A_370 = arith.mulf %parallel_loop3A_352, %parallel_loop3A_369 : vector<32xbf16>
        %parallel_loop3A_371 = arith.addf %parallel_loop3A_359, %parallel_loop3A_370 : vector<32xbf16>
        %parallel_loop3A_372 = arith.subf %parallel_loop3A_362, %parallel_loop3A_361 : vector<32xbf16>
        %parallel_loop3A_373 = arith.mulf %parallel_loop3A_352, %parallel_loop3A_372 : vector<32xbf16>
        %parallel_loop3A_374 = arith.addf %parallel_loop3A_361, %parallel_loop3A_373 : vector<32xbf16>
        %parallel_loop3A_375 = arith.subf %parallel_loop3A_368, %parallel_loop3A_365 : vector<32xbf16>
        %parallel_loop3A_376 = arith.mulf %parallel_loop3A_353, %parallel_loop3A_375 : vector<32xbf16>
        %parallel_loop3A_377 = arith.addf %parallel_loop3A_365, %parallel_loop3A_376 : vector<32xbf16>
        %parallel_loop3A_378 = arith.subf %parallel_loop3A_374, %parallel_loop3A_371 : vector<32xbf16>
        %parallel_loop3A_379 = arith.mulf %parallel_loop3A_353, %parallel_loop3A_378 : vector<32xbf16>
        %parallel_loop3A_380 = arith.addf %parallel_loop3A_371, %parallel_loop3A_379 : vector<32xbf16>
        %parallel_loop3A_381 = arith.subf %parallel_loop3A_380, %parallel_loop3A_377 : vector<32xbf16>
        %parallel_loop3A_382 = arith.mulf %parallel_loop3A_354, %parallel_loop3A_381 : vector<32xbf16>
        %parallel_loop3A_383 = arith.addf %parallel_loop3A_377, %parallel_loop3A_382 : vector<32xbf16>
        %parallel_loop3A_384 = tpu.unpack_subelements %parallel_loop3A_383, 0 {pack_format = #tpu.pack_format<interleaved>} : vector<32xbf16> -> vector<16xf32>
        %parallel_loop3A_385 = tpu.unpack_subelements %parallel_loop3A_383, 1 {pack_format = #tpu.pack_format<interleaved>} : vector<32xbf16> -> vector<16xf32>
        %parallel_loop3A_386 = arith.constant 0 : i32
        %parallel_loop3A_387 = arith.index_cast %and3A_216 : i32 to index
        %parallel_loop3A_388 = arith.index_cast %parallel_loop3A_386 : i32 to index
        %parallel_loop3A_389 = arith.index_cast %parallel_loop3A_247 : i32 to index
        %parallel_loop3A_390 = arith.index_cast %parallel_loop3A_251 : i32 to index
        %parallel_loop3A_391 = arith.index_cast %parallel_loop3A_255 : i32 to index
        %parallel_loop3A_392 = tpu.vector_load %arg7[%parallel_loop3A_387, %parallel_loop3A_388, %parallel_loop3A_389, %parallel_loop3A_390, %parallel_loop3A_391] {strides = array<i32>} : memref<2x2x2x8x128xf32, #tpu.memory_space<vmem>>, vector<16xf32>,
        tpu.vector_store %arg7[%parallel_loop3A_387, %parallel_loop3A_388, %parallel_loop3A_389, %parallel_loop3A_390, %parallel_loop3A_391], %parallel_loop3A_384 {strides = array<i32>} : memref<2x2x2x8x128xf32, #tpu.memory_space<vmem>>, vector<16xf32>,
        %parallel_loop3A_393 = arith.constant 1 : i32
        %parallel_loop3A_394 = arith.index_cast %and3A_216 : i32 to index
        %parallel_loop3A_395 = arith.index_cast %parallel_loop3A_393 : i32 to index
        %parallel_loop3A_396 = arith.index_cast %parallel_loop3A_247 : i32 to index
        %parallel_loop3A_397 = arith.index_cast %parallel_loop3A_251 : i32 to index
        %parallel_loop3A_398 = arith.index_cast %parallel_loop3A_255 : i32 to index
        %parallel_loop3A_399 = tpu.vector_load %arg7[%parallel_loop3A_394, %parallel_loop3A_395, %parallel_loop3A_396, %parallel_loop3A_397, %parallel_loop3A_398] {strides = array<i32>} : memref<2x2x2x8x128xf32, #tpu.memory_space<vmem>>, vector<16xf32>,
        tpu.vector_store %arg7[%parallel_loop3A_394, %parallel_loop3A_395, %parallel_loop3A_396, %parallel_loop3A_397, %parallel_loop3A_398], %parallel_loop3A_385 {strides = array<i32>} : memref<2x2x2x8x128xf32, #tpu.memory_space<vmem>>, vector<16xf32>,
      } {sc.loop_unroll_factor = 1 : i64, sc.parallel_access}
      %and3A_221 = arith.constant 1 : i32
      %and3A_222 = arith.andi %scan3A_175, %and3A_221 : i32
      %mul3A_223 = arith.constant 2 : i32
      %mul3A_224 = arith.muli %mul3A_223, %scan3A_175 : i32
      %dma_start3A_225 = arith.constant 0 : i32
      %dma_start3A_226 = arith.constant 0 : i32
      %dma_start3A_227 = arith.constant 0 : i32
      %dma_start3A_228 = arith.constant 0 : i32
      %dma_start3A_229 = tpu.memref_slice %arg7[%and3A_222, %dma_start3A_225, %dma_start3A_226, %dma_start3A_227, %dma_start3A_228] : memref<2x2x2x8x128xf32, #tpu.memory_space<vmem>> -> memref<1x2x2x8x128xf32, #tpu.memory_space<vmem>>
      %dma_start3A_230 = tpu.memref_squeeze %dma_start3A_229 : memref<1x2x2x8x128xf32, #tpu.memory_space<vmem>> -> memref<2x2x8x128xf32, #tpu.memory_space<vmem>>
      %dma_start3A_231 = arith.constant 0 : i32
      %dma_start3A_232 = arith.constant 0 : i32
      %dma_start3A_233 = tpu.memref_slice %arg4[%shift_right_arithmetic3A_1, %dma_start3A_231, %mul3A_224, %mul3A_4, %dma_start3A_232] : memref<2x2x128x128x128xf32, #tpu.memory_space<hbm>> -> memref<1x2x2x8x128xf32, #tpu.memory_space<hbm>>
      %dma_start3A_234 = tpu.memref_squeeze %dma_start3A_233 : memref<1x2x2x8x128xf32, #tpu.memory_space<hbm>> -> memref<2x2x8x128xf32, #tpu.memory_space<hbm>>
      %dma_start3A_235 = arith.constant 0 : i32
      %dma_start3A_236 = arith.constant 0 : i32
      %dma_start3A_237 = tpu.memref_slice %arg4[%shift_right_arithmetic3A_1, %dma_start3A_235, %mul3A_224, %mul3A_4, %dma_start3A_236] : memref<2x2x128x128x128xf32, #tpu.memory_space<hbm>> -> memref<1x2x2x8x128xf32, #tpu.memory_space<hbm>>
      %dma_start3A_238 = tpu.memref_squeeze %dma_start3A_237 : memref<1x2x2x8x128xf32, #tpu.memory_space<hbm>> -> memref<2x2x8x128xf32, #tpu.memory_space<hbm>>
      %dma_start3A_239 = arith.constant 0 : i32
      %dma_start3A_240 = arith.constant 0 : i32
      %dma_start3A_241 = arith.constant 0 : i32
      %dma_start3A_242 = arith.constant 0 : i32
      %dma_start3A_243 = tpu.memref_slice %arg7[%and3A_222, %dma_start3A_239, %dma_start3A_240, %dma_start3A_241, %dma_start3A_242] : memref<2x2x2x8x128xf32, #tpu.memory_space<vmem>> -> memref<1x2x2x8x128xf32, #tpu.memory_space<vmem>>
      %dma_start3A_244 = tpu.memref_squeeze %dma_start3A_243 : memref<1x2x2x8x128xf32, #tpu.memory_space<vmem>> -> memref<2x2x8x128xf32, #tpu.memory_space<vmem>>
      tpu.enqueue_dma source(%dma_start3A_244 : memref<2x2x8x128xf32, #tpu.memory_space<vmem>>) target(%dma_start3A_238 : memref<2x2x8x128xf32, #tpu.memory_space<hbm>>) target_semaphore(%arg10 : memref<!tpu.dma_semaphore, #tpu.memory_space<semaphore_mem>>)
    }
    %scan3A_128 = arith.constant 64 : i32
    %dma_wait3A_129 = arith.constant 0 : i32
    %dma_wait3A_130 = arith.constant 0 : i32
    %dma_wait3A_131 = arith.constant 0 : i32
    %dma_wait3A_132 = arith.constant 0 : i32
    %dma_wait3A_133 = arith.constant 0 : i32
    %dma_wait3A_134 = tpu.memref_slice %arg7[%dma_wait3A_129, %dma_wait3A_130, %dma_wait3A_131, %dma_wait3A_132, %dma_wait3A_133] : memref<2x2x2x8x128xf32, #tpu.memory_space<vmem>> -> memref<1x2x2x8x128xf32, #tpu.memory_space<vmem>>
    %dma_wait3A_135 = tpu.memref_squeeze %dma_wait3A_134 : memref<1x2x2x8x128xf32, #tpu.memory_space<vmem>> -> memref<2x2x8x128xf32, #tpu.memory_space<vmem>>
    %dma_wait3A_136 = arith.constant 0 : i32
    %dma_wait3A_137 = arith.constant 124 : i32
    %dma_wait3A_138 = arith.constant 0 : i32
    %dma_wait3A_139 = tpu.memref_slice %arg4[%shift_right_arithmetic3A_1, %dma_wait3A_136, %dma_wait3A_137, %mul3A_4, %dma_wait3A_138] : memref<2x2x128x128x128xf32, #tpu.memory_space<hbm>> -> memref<1x2x2x8x128xf32, #tpu.memory_space<hbm>>
    %dma_wait3A_140 = tpu.memref_squeeze %dma_wait3A_139 : memref<1x2x2x8x128xf32, #tpu.memory_space<hbm>> -> memref<2x2x8x128xf32, #tpu.memory_space<hbm>>
    %dma_wait3A_141 = arith.constant 0 : i32
    %dma_wait3A_142 = arith.constant 124 : i32
    %dma_wait3A_143 = arith.constant 0 : i32
    %dma_wait3A_144 = tpu.memref_slice %arg4[%shift_right_arithmetic3A_1, %dma_wait3A_141, %dma_wait3A_142, %mul3A_4, %dma_wait3A_143] : memref<2x2x128x128x128xf32, #tpu.memory_space<hbm>> -> memref<1x2x2x8x128xf32, #tpu.memory_space<hbm>>
    %dma_wait3A_145 = tpu.memref_squeeze %dma_wait3A_144 : memref<1x2x2x8x128xf32, #tpu.memory_space<hbm>> -> memref<2x2x8x128xf32, #tpu.memory_space<hbm>>
    %dma_wait3A_146 = arith.constant 0 : i32
    %dma_wait3A_147 = arith.constant 0 : i32
    %dma_wait3A_148 = arith.constant 0 : i32
    %dma_wait3A_149 = arith.constant 0 : i32
    %dma_wait3A_150 = tpu.memref_slice %arg7[%dma_wait3A_129, %dma_wait3A_146, %dma_wait3A_147, %dma_wait3A_148, %dma_wait3A_149] : memref<2x2x2x8x128xf32, #tpu.memory_space<vmem>> -> memref<1x2x2x8x128xf32, #tpu.memory_space<vmem>>
    %dma_wait3A_151 = tpu.memref_squeeze %dma_wait3A_150 : memref<1x2x2x8x128xf32, #tpu.memory_space<vmem>> -> memref<2x2x8x128xf32, #tpu.memory_space<vmem>>
    tpu.wait_dma2 semaphore(%arg10 : memref<!tpu.dma_semaphore, #tpu.memory_space<semaphore_mem>>) src(%dma_wait3A_151 : memref<2x2x8x128xf32, #tpu.memory_space<vmem>>) dst(%dma_wait3A_145 : memref<2x2x8x128xf32, #tpu.memory_space<hbm>>)
    %dma_wait3A_152 = arith.constant 1 : i32
    %dma_wait3A_153 = arith.constant 0 : i32
    %dma_wait3A_154 = arith.constant 0 : i32
    %dma_wait3A_155 = arith.constant 0 : i32
    %dma_wait3A_156 = arith.constant 0 : i32
    %dma_wait3A_157 = tpu.memref_slice %arg7[%dma_wait3A_152, %dma_wait3A_153, %dma_wait3A_154, %dma_wait3A_155, %dma_wait3A_156] : memref<2x2x2x8x128xf32, #tpu.memory_space<vmem>> -> memref<1x2x2x8x128xf32, #tpu.memory_space<vmem>>
    %dma_wait3A_158 = tpu.memref_squeeze %dma_wait3A_157 : memref<1x2x2x8x128xf32, #tpu.memory_space<vmem>> -> memref<2x2x8x128xf32, #tpu.memory_space<vmem>>
    %dma_wait3A_159 = arith.constant 0 : i32
    %dma_wait3A_160 = arith.constant 126 : i32
    %dma_wait3A_161 = arith.constant 0 : i32
    %dma_wait3A_162 = tpu.memref_slice %arg4[%shift_right_arithmetic3A_1, %dma_wait3A_159, %dma_wait3A_160, %mul3A_4, %dma_wait3A_161] : memref<2x2x128x128x128xf32, #tpu.memory_space<hbm>> -> memref<1x2x2x8x128xf32, #tpu.memory_space<hbm>>
    %dma_wait3A_163 = tpu.memref_squeeze %dma_wait3A_162 : memref<1x2x2x8x128xf32, #tpu.memory_space<hbm>> -> memref<2x2x8x128xf32, #tpu.memory_space<hbm>>
    %dma_wait3A_164 = arith.constant 0 : i32
    %dma_wait3A_165 = arith.constant 126 : i32
    %dma_wait3A_166 = arith.constant 0 : i32
    %dma_wait3A_167 = tpu.memref_slice %arg4[%shift_right_arithmetic3A_1, %dma_wait3A_164, %dma_wait3A_165, %mul3A_4, %dma_wait3A_166] : memref<2x2x128x128x128xf32, #tpu.memory_space<hbm>> -> memref<1x2x2x8x128xf32, #tpu.memory_space<hbm>>
    %dma_wait3A_168 = tpu.memref_squeeze %dma_wait3A_167 : memref<1x2x2x8x128xf32, #tpu.memory_space<hbm>> -> memref<2x2x8x128xf32, #tpu.memory_space<hbm>>
    %dma_wait3A_169 = arith.constant 0 : i32
    %dma_wait3A_170 = arith.constant 0 : i32
    %dma_wait3A_171 = arith.constant 0 : i32
    %dma_wait3A_172 = arith.constant 0 : i32
    %dma_wait3A_173 = tpu.memref_slice %arg7[%dma_wait3A_152, %dma_wait3A_169, %dma_wait3A_170, %dma_wait3A_171, %dma_wait3A_172] : memref<2x2x2x8x128xf32, #tpu.memory_space<vmem>> -> memref<1x2x2x8x128xf32, #tpu.memory_space<vmem>>
    %dma_wait3A_174 = tpu.memref_squeeze %dma_wait3A_173 : memref<1x2x2x8x128xf32, #tpu.memory_space<vmem>> -> memref<2x2x8x128xf32, #tpu.memory_space<vmem>>
    tpu.wait_dma2 semaphore(%arg10 : memref<!tpu.dma_semaphore, #tpu.memory_space<semaphore_mem>>) src(%dma_wait3A_174 : memref<2x2x8x128xf32, #tpu.memory_space<vmem>>) dst(%dma_wait3A_168 : memref<2x2x8x128xf32, #tpu.memory_space<hbm>>)
    return
  }
}

</mosaic_0001>

<sc_bundles>
// kernel: _warp.3.cloned.1.call-start
scs
__scs_entry_jumppad:
0x0: {  	(pc) =	sbr.rel $0x88, $3  }
0x1: {  	(tag) =	ssettag $0x0;
	lr =	simm.s32 $0x1  }
0x2: {  	[smem:$0x3F9F] =	sst lr;
	_ =	strace $0xD0000000  }
0x3: {  	_ = 	snop  }
0x4: {  	_ = 	snop  }
0x5: {  	_ = 	snop  }
0x6: {  	_ = 	snop  }
0x7: {  	_ = 	snop  }
__scs_overlays_trampoline_lowered:
0x8: {  	[smem:$0x3FAE] =	sst s0  }
0x9: {  	[smem:$0x3FAF] =	sst s1  }
0xa: {  	[smem:$0x3FB0] =	sst s2  }
0xb: {  	[smem:$0x3FB1] =	sst s3  }
0xc: {  	[smem:$0x3FB2] =	sst s4  }
0xd: {  	[smem:$0x3FB3] =	sst s5  }
0xe: {  	[smem:$0x3FB4] =	sst s6  }
0xf: {  	[smem:$0x3FB5] =	sst s7  }
0x10: {  	[smem:$0x3FB6] =	sst s8  }
0x11: {  	[smem:$0x3FB7] =	sst s9;
	s0 =	simm.s32 @!p0 $0x0  }
0x12: {  	s1 =	sld [smem:$0x3F9D];
	s0 =	simm.s32 @p0 $0x1  }
0x13: {  	[smem:$0x3FB8] =	sst s0;
	s0 =	simm.s32 @!p1 $0x0  }
0x14: {  	s2 =	sld [smem:$0x3F9C];
	s0 =	simm.s32 @p1 $0x1  }
0x15: {  	[smem:$0x3FB9] =	sst s0;
	s0 =	simm.s32 @!p2 $0x0  }
0x16: {  	s3 =	sld [smem:$0x3FDB];
	s0 =	simm.s32 @p2 $0x1  }
0x17: {  	s4 =	simm.s32 $0x1BF5;
	[smem:$0x3FBB] =	sst s0  }
0x18: {  	s0 =	sld [smem:$0x3F9E];
	_ =	swait.ge [sflag:s4], $0x0  }
0x19: {  	s7 =	sld [smem:$0x3F9F]  }
0x1a: {  	s8 =	sadd.s32 $0xFFFFE003, lr  }
0x1b: {  	s9 =	sadd.s32 $0xFFFFFEF7, lr;
	s5 =	simm.s32 $0xFFFFFFFF;
	p2 =	slt.u32 s8, $0xFFFFF086  }
0x1c: {  	p1 =	slt.u32 s9, $0xF7A;
	s5 =	simm.s32 @!p2 $0x0  }
0x1d: {  	s5 =	simm.s32 @p1 $0x1;
	p0 =	seq.s32 s7, s2  }
0x1e: {  	s7 =	smul.u32 @!p0 $0xF7A, s2;
	p2 =	seq.s32 @!p0 s5, $0x0  }
0x1f: {  	s9 =	smul.u32 $0xF7A, s1;
	s8 =	simm.s32 @!p0 $0x1BF5;
	p2 =	por !p2, p0  }
0x20: {  	[sflag:s8] =	ssyncset.s32 @!p0 $0xFFFFF086;
	s6 =	sadd.s32 @!p0 s3, s7;
	s7 =	simm.s32 @!p0 $0x108  }
0x21: {  	s3 =	sadd.s32 s3, s9;
	s6 =	sadd.s32 @!p0 $0x88, s6;
	s7 =	simm.s32 @p2 $0x1082  }
0x22: {  	[simem:s7], [sflag:s8] =	dma.local @!p0 [hbm:s6], $0xF7A  }
0x23: {  	s9 =	sor.u32 $0xD0000000, s2;
	s6 =	simm.s32 $0x108;
	_ =	swait.ge @!p0 [sflag:s8], $0x0  }
0x24: {  	s3 =	sadd.s32 $0x88, s3;
	s6 =	simm.s32 @!p1 $0x1082;
	[sflag:s4] =	ssyncset.s32 $0xFFFFF086  }
0x25: {  	[simem:s6], [sflag:s4] =	dma.local [hbm:s3], $0xF7A  }
0x26: {  	[smem:$0x3F9F] =	sst s1;
	(tag) =	ssettag s2;
	_ =	strace s9  }
0x27: {  	s1 =	sld [smem:$0x3FAF]  }
0x28: {  	s2 =	sld [smem:$0x3FB0]  }
0x29: {  	s4 =	sld [smem:$0x3FB2]  }
0x2a: {  	p0 =	seq.s32 s5, $0x0;
	s5 =	sld [smem:$0x3FB3]  }
0x2b: {  	s6 =	sld [smem:$0x3FB4]  }
0x2c: {  	s7 =	sld [smem:$0x3FB5]  }
0x2d: {  	s3 =	simm.s32 $0x108;
	s8 =	sld [smem:$0x3FB6]  }
0x2e: {  	s3 =	simm.s32 @!p0 $0x1082;
	s9 =	sld [smem:$0x3FB7]  }
0x2f: {  	lr =	sadd.s32 s0, s3;
	s0 =	sld [smem:$0x3FAE]  }
0x30: {  	s3 =	sld [smem:$0x3FB1]  }
0x31: {  	[smem:$0x3FBA] =	sst s10  }
0x32: {  	s10 =	sld [smem:$0x3FB8];
	_ =	sdelay $0x3  }
0x33: {  	p0 =	seq.s32 s10, $0x1;
	s10 =	sld [smem:$0x3FBA];
	_ =	sdelay $0x3  }
0x34: {  	[smem:$0x3FBA] =	sst s10  }
0x35: {  	s10 =	sld [smem:$0x3FB9];
	_ =	sdelay $0x3  }
0x36: {  	p1 =	seq.s32 s10, $0x1;
	s10 =	sld [smem:$0x3FBA];
	_ =	sdelay $0x3  }
0x37: {  	[smem:$0x3FBA] =	sst s10  }
0x38: {  	s10 =	sld [smem:$0x3FBB]  }
0x39: {  	_ = 	snop;
	(pc) =	sbr.ind lr, $3  }
0x3a: {  	_ = 	snop  }
0x3b: {  	_ = 	snop  }
0x3c: {  	p2 =	seq.s32 s10, $0x1;
	s10 =	sld [smem:$0x3FBA]  }
0x3d: {  	_ =	shalt  }
0x3e: {  	_ =	shalt  }
0x3f: {  	_ =	shalt  }
0x40: {  	_ =	shalt  }
0x41: {  	_ =	shalt  }
0x42: {  	_ =	shalt  }
0x43: {  	_ =	shalt  }
0x44: {  	_ =	shalt  }
0x45: {  	_ =	shalt  }
0x46: {  	_ =	shalt  }
0x47: {  	_ =	shalt  }
0x48: {  	_ =	shalt  }
0x49: {  	_ =	shalt  }
0x4a: {  	_ =	shalt  }
0x4b: {  	_ =	shalt  }
0x4c: {  	_ =	shalt  }
0x4d: {  	_ =	shalt  }
0x4e: {  	_ =	shalt  }
0x4f: {  	_ =	shalt  }
0x50: {  	_ =	shalt  }
0x51: {  	_ =	shalt  }
0x52: {  	_ =	shalt  }
0x53: {  	_ =	shalt  }
0x54: {  	_ =	shalt  }
0x55: {  	_ =	shalt  }
0x56: {  	_ =	shalt  }
0x57: {  	_ =	shalt  }
0x58: {  	_ =	shalt  }
0x59: {  	_ =	shalt  }
0x5a: {  	_ =	shalt  }
0x5b: {  	_ =	shalt  }
0x5c: {  	_ =	shalt  }
0x5d: {  	_ =	shalt  }
0x5e: {  	_ =	shalt  }
0x5f: {  	_ =	shalt  }
0x60: {  	_ =	shalt  }
0x61: {  	_ =	shalt  }
0x62: {  	_ =	shalt  }
0x63: {  	_ =	shalt  }
0x64: {  	_ =	shalt  }
0x65: {  	_ =	shalt  }
0x66: {  	_ =	shalt  }
0x67: {  	_ =	shalt  }
0x68: {  	_ =	shalt  }
0x69: {  	_ =	shalt  }
0x6a: {  	_ =	shalt  }
0x6b: {  	_ =	shalt  }
0x6c: {  	_ =	shalt  }
0x6d: {  	_ =	shalt  }
0x6e: {  	_ =	shalt  }
0x6f: {  	_ =	shalt  }
0x70: {  	_ =	shalt  }
0x71: {  	_ =	shalt  }
0x72: {  	_ =	shalt  }
0x73: {  	_ =	shalt  }
0x74: {  	_ =	shalt  }
0x75: {  	_ =	shalt  }
0x76: {  	_ =	shalt  }
0x77: {  	_ =	shalt  }
0x78: {  	_ =	shalt  }
0x79: {  	_ =	shalt  }
0x7a: {  	_ =	shalt  }
0x7b: {  	_ =	shalt  }
0x7c: {  	_ =	shalt  }
0x7d: {  	_ =	shalt  }
0x7e: {  	_ =	shalt  }
0x7f: {  	_ =	shalt  }
0x80: {  	_ =	shalt  }
0x81: {  	_ =	shalt  }
0x82: {  	_ =	shalt  }
0x83: {  	_ =	shalt  }
0x84: {  	_ =	shalt  }
0x85: {  	_ =	shalt  }
0x86: {  	_ =	shalt  }
0x87: {  	_ =	shalt  }
.Lfunc_end0:
.L_simem_size_0:
called_computation_lowered:
.L_overlay_start_0:
0x88: {  	s2 =	sld [smem:$0x3FD9]  }
0x89: {  	s3 =	sld [smem:$0x3FFE];
	_ =	sdelay $0x1  }
0x8a: {  	s1 =	srdreg.scid  }
0x8b: {  	s0 =	sand.u32 $0x1, s1  }
0x8c: {  	s17 =	sshll.u32 s0, $0xA;
	s2 =	sadd.s32 s3, s2  }
0x8d: {  	s2 =	sadd.s32 s2, s17  }
0x8e: {  	[smem:$0x3FC6] =	sst s2  }
0x8f: {  	_ = 	snop  }
0x90: {  	s2 =	sld [smem:$0x3FC8]  }
0x91: {  	s18 =	sld [smem:$0x3FD0];
	(tm) =	ssettm $0x1  }
0x92: {  	s4 =	sld [smem:$0x3FFB];
	_ =	sdelay $0x3  }
0x93: {  	_ =	strace s4  }
0x94: {  	s4 =	sld [smem:$0x3FFC];
	_ =	sdelay $0x3  }
0x95: {  	_ =	strace s4  }
0x96: {  	s4 =	sld [smem:$0x3FFD];
	_ =	sdelay $0x3  }
0x97: {  	_ =	strace s4  }
0x98: {  	_ =	strace $0x8FFFFFFF  }
0x99: {  	s19 =	sld [smem:$0x3FDB];
	_ =	sdelay $0x1  }
0x9a: {  	s5 =	simm.s32 $_scs_section_size  }
0x9b: {  	s6 =	simm.s32 $_size__tile_overlayer_lowered;
	s7 =	simm.s32 $_tile_overlayer_lowered  }
0x9c: {  	s22 =	simm.s32 $0x1BFF;
	s21 =	sshll.u32 s7, $0x1;
	s4 =	sadd.s32 s5, s19  }
0x9d: {  	s8 =	simm.s32 $0x0;
	s20 =	sshll.u32 s6, $0x1;
	s6 =	sadd.s32 s21, s4  }
0x9e: {  	[timem:s8], [sflag:s22] =	dma.local [hbm:s6], s20  }
0x9f: {  	_ =	swait.ge [sflag:s22], s20  }
0xa0: {  	s5 =	ssub.s32 $0x0, s20;
	[sflag:s22] =	ssyncset.done $0x0  }
0xa1: {  	[sflag:s22] =	ssyncadd.s32 s5;
	_ =	sdelay $0x1  }
0xa2: {  	s23 =	simm.s32 $0x1B8B  }
0xa3: {  	_ =	swait.ge [sflag:s23], $0x1  }
0xa4: {  	[sflag:s23] =	ssyncset.done $0x0  }
0xa5: {  	s25 =	simm.s32 $0x1B8E;
	s24 =	sld [smem:$0x3FFE];
	[sflag:s23] =	ssyncadd.s32 $0xFFFFFFFF  }
0xa6: {  	s26 =	simm.s32 $execute0_lowered;
	[smem:$0x3FD2] =	sst s25  }
0xa7: {  	s6 =	sshll.u32 s26, $0x1;
	_ =	strace $0x80000046;
	[dreg:$0x1] =	wrdreg $0xFFFFFFFF  }
0xa8: {  	s28 =	simm.s32 $_size_execute0_lowered;
	s4 =	sadd.s32 s4, s6;
	[dreg:$0x0] =	wrdreg $0x0  }
0xa9: {  	s6 =	sshll.u32 s28, $0x1;
	[dreg:$0x2] =	wrdreg s4  }
0xaa: {  	[dreg:$0x3] =	wrdreg s6  }
0xab: {  	[dreg:$0x4] =	wrdreg $0xC0  }
0xac: {  	_ =	task [dreg:s8], $0x5FFFF  }
0xad: {  	[dreg:$0x1] =	wrdreg $0xFFFFFFFF  }
0xae: {  	[dreg:$0x0] =	wrdreg $0x60  }
0xaf: {  	[dreg:$0x2] =	wrdreg s24  }
0xb0: {  	[dreg:$0x3] =	wrdreg s2  }
0xb1: {  	[dreg:$0x4] =	wrdreg s18  }
0xb2: {  	[dreg:$0x5] =	wrdreg $0x9  }
0xb3: {  	_ =	task.clear_ibuf [dreg:s8], $0x6FFFF;
	_ =	strace $0x90000046  }
0xb4: {  	s29 =	simm.s32 $0x9;
	_ =	strace $0x80000048  }
0xb5: {  	_ =	swait.ge [sflag:s29], $0x1  }
0xb6: {  	[sflag:s29] =	ssyncadd.s32 $0xFFFFFFFF  }
0xb7: {  	_ =	strace $0x90000048  }
0xb8: {  	_ =	sfence  }
0xb9: {  	s30 =	sld [smem:$0x0];
	_ =	sdelay $0x2  }
0xba: {  	s31 =	sshll.u32 s1, $0xD;
	s1 =	sshrl.u32 s1, $0x2  }
0xbb: {  	s3 =	sand.u32 $0x4000, s31;
	s1 =	sadd.s32 s1, s30  }
0xbc: {  	s0 =	sor.u32 s3, s0;
	s1 =	sshll.u32 s1, $0x11  }
0xbd: {  	s0 =	sor.u32 s1, s0  }
0xbe: {  	s0 =	sadd.s32 $0x8F2B, s0  }
0xbf: {  	[sflag:s0] =	ssyncadd.remote.s32 $0x1  }
0xc0: {  	_ =	sfence.sel $0xFFFF  }
0xc1: {  	[dreg:$0x0] =	wrdreg $0xFFFFFFFF;
	(pc) =	sbr.abs _section_cstart, $3  }
0xc2: {  	[dreg:$0x1] =	wrdreg $0xFFFFFFFF  }
0xc3: {  	_ =	task.clear_ibuf [dreg:s8], $0x2FFFF;
	_ =	strace $0x9FFFFFFF  }
0xc4: {  	(tm) =	ssettm $0x7FFFFFFF  }
0xc5: {  	_ =	shalt  }
tec
execute0_lowered:
.L_overlay_start_1:
0x0: {  	(tag) =	ssettag $0x1  }
0x1: {  	s0 =	srdreg.scid  }
0x2: {  	s1 =	stileid.u32;
	s2 =	rddreg [dreg:$0x0];
	v0 =	vimm.f32 $1.500000000e+01;
	vm0 =	vcmask $0x300  }
0x3: {  	s12 =	rddreg [dreg:$0x1];
	vm14 =	vcmask $0x704;
	s18 =	simm.s32 $0x4000;
	s0 =	sand.u32 $0x1, s0;
	v0 =	vsel vm0, $0x0, v0  }
0x4: {  	vm15 =	vcmask $0xB08;
	s3 =	sshll.u32 s1, $0x4;
	s8 =	sshrl.u32 s1, $0x3;
	s4 =	sshll.u32 s0, $0x3;
	v0 =	vsel vm14, $0x3F800000, v0  }
0x5: {  	vm4 =	vcmask $0xF0C;
	s5 =	sand.u32 $0x70, s3;
	s23 =	sshll.u32 s8, $0x15;
	s0 =	ssub.s32 $0x2, s0;
	v0 =	vsel vm15, $0x40000000, v0  }
0x6: {  	vm5 =	vcmask $0x1310;
	s24 =	smul.u32 $0x600000, s8;
	s4 =	sor.u32 s4, s5;
	s5 =	simm.s32 $0x0;
	v0 =	vsel vm4, $0x40400000, v0  }
0x7: {  	vm6 =	vcmask $0x1714;
	s9 =	sshrl.u32 s0, $0x1;
	s6 =	smax.u32 s4, $0x8;
	[smem:$0x7FF] =	sst s5;
	v0 =	vsel vm5, $0x40800000, v0  }
0x8: {  	vm7 =	vcmask $0x1B18;
	s13 =	sshll.u32 s4, $0x7;
	s0 =	ssub.s32 s0, s9;
	s6 =	smin.u32 s6, $0x70;
	v0 =	vsel vm6, $0x40A00000, v0  }
0x9: {  	vm8 =	vcmask $0x1F1C;
	_ =	strace $0x80000047;
	s9 =	sor.u32 s24, s13;
	s0 =	smax.u32 s0, $0x1;
	v0 =	vsel vm7, $0x40C00000, v0  }
0xa: {  	vm9 =	vcmask $0x2320;
	s10 =	sadd.s32 $0xFFFFFFF8, s6;
	s6 =	sadd.s32 $0x400, s2;
	s28 =	sshrl.u32 s9, $0x3;
	v0 =	vsel vm8, $0x40E00000, v0  }
0xb: {  	vm10 =	vcmask $0x2724;
	[dreg:$0xa] =	wrdreg s0;
	s7 =	sshll.u32 s10, $0x7;
	s29 =	sadd.s32 s12, s28;
	v0 =	vsel vm9, $0x41000000, v0  }
0xc: {  	vm11 =	vcmask $0x2B28;
	s7 =	sadd.s32 s23, s7;
	s30 =	sadd.s32 $0x40000, s29;
	[dreg:$0x9] =	wrdreg s29;
	v0 =	vsel vm10, $0x41100000, v0  }
0xd: {  	vm12 =	vcmask $0x2F2C;
	s31 =	sadd.s32 $0x80000, s29;
	s11 =	sshrl.u32 s7, $0x3;
	[dreg:$0xb] =	wrdreg s30;
	v0 =	vsel vm11, $0x41200000, v0  }
0xe: {  	vm13 =	vcmask $0x3330;
	s21 =	simm.s32 $0x400;
	[dreg:$0xc] =	wrdreg s31;
	s25 =	sadd.s32 s6, s11;
	v0 =	vsel vm12, $0x41300000, v0  }
0xf: {  	s8 =	sshll.u32 s8, $0x16;
	vm14 =	vcmask $0x3734;
	s26 =	sadd.s32 $0x4000, s25;
	[dreg:$0x6] =	wrdreg s25;
	v0 =	vsel vm13, $0x41400000, v0  }
0x10: {  	vm15 =	vcmask $0x3B38;
	s13 =	sor.u32 s13, s8;
	s1 =	sadd.s32 $0x8000, s25;
	[dreg:$0x7] =	wrdreg s26;
	v1 =	vsel vm14, $0x41500000, v0  }
0x11: {  	s2 =	simm.s32 $0x0;
	[dreg:$0x8] =	wrdreg s1;
	s26 =	simm.s32 $0x2;
	v0 =	vmov s10;
	v1 =	vsel vm15, $0x41600000, v1  }
.LBB2_1:
0x12: {  	[dreg:$0xd] =	wrdreg s2  }
0x13: {  	s0 =	rddreg [dreg:$0x6];
	s1 =	simm.s32 $0xC00  }
0x14: {  	[tilespmem:s5], [sflag:$0x1] =	stream.strided.gather [hbm4b:s0+s1], $0x6000, s18, s1, $0x38;
	[tilespmem:$0x1D000] =	vst v63  }
0x15: {  	s16 =	rddreg [dreg:$0x7];
	s17 =	simm.s32 $0x6000  }
0x16: {  	[tilespmem:s17], [sflag:$0x1] =	stream.strided.gather [hbm4b:s16+s1], $0x6000, s18, s1, $0x38;
	[tilespmem:$0x1D000] =	vst v63  }
0x17: {  	s19 =	rddreg [dreg:$0x8];
	s20 =	simm.s32 $0xC000  }
0x18: {  	[tilespmem:s20], [sflag:$0x1] =	stream.strided.gather [hbm4b:s19+s1], $0x6000, s18, s1, $0x38;
	[tilespmem:$0x1D000] =	vst v63  }
0x19: {  	s22 =	rddreg [dreg:$0x9];
	s23 =	simm.s32 $0x18000  }
0x1a: {  	[tilespmem:s23], [sflag:$0x2] =	stream.strided.gather [hbm4b:s22+s21], $0x800, s18, s21, $0x38;
	[tilespmem:$0x1D000] =	vst v63  }
0x1b: {  	s24 =	rddreg [dreg:$0xb];
	s25 =	simm.s32 $0x18800  }
0x1c: {  	[tilespmem:s25], [sflag:$0x2] =	stream.strided.gather [hbm4b:s24+s21], $0x800, s18, s21, $0x38;
	[tilespmem:$0x1D000] =	vst v63  }
0x1d: {  	s28 =	rddreg [dreg:$0xc];
	s29 =	simm.s32 $0x19000;
	s31 =	simm.s32 $0x1  }
0x1e: {  	[tilespmem:s29], [sflag:$0x2] =	stream.strided.gather [hbm4b:s28+s21], $0x800, s18, s21, $0x38;
	[tilespmem:$0x1D000] =	vst v63  }
0x1f: {  	_ =	swait.ge [sflag:s31], $0x6000  }
0x20: {  	[sflag:s31] =	ssyncset.done $0x0  }
0x21: {  	[sflag:s31] =	ssyncadd.s32 $0xFFFFA000  }
0x22: {  	_ =	swait.ge [sflag:s31], $0x6000  }
0x23: {  	[sflag:s31] =	ssyncset.done $0x0  }
0x24: {  	[sflag:s31] =	ssyncadd.s32 $0xFFFFA000  }
0x25: {  	_ =	swait.ge [sflag:s31], $0x6000  }
0x26: {  	[sflag:s31] =	ssyncset.done $0x0  }
0x27: {  	s30 =	simm.s32 $0x0;
	[sflag:s31] =	ssyncadd.s32 $0xFFFFA000  }
.LBB2_2:
0x28: {  	s0 =	sand.u32 $0x3, s30  }
0x29: {  	s2 =	sshrl.u32 s30, $0x2;
	p0 =	sne.s32 s0, $0x0  }
0x2a: {  	s0 =	sadd.s32 @!p0 $0xFFFFFFFF, s2  }
0x2b: {  	p1 =	sgt.u32 @!p0 s0, $0xC  }
0x2c: {  	p1 =	por p1, p0  }
0x2d: {  	s0 =	sadd.s32 @!p1 $0x2, s2  }
0x2e: {  	s8 =	sshll.u32 @!p1 s0, $0x3  }
0x2f: {  	s0 =	sshll.u32 @!p1 s0, $0x11;
	s8 =	sand.u32 @!p1 $0x18, s8  }
0x30: {  	s0 =	sadd.s32 @!p1 s0, s7;
	s8 =	smul.u32 @!p1 $0x3000, s8  }
0x31: {  	s10 =	simm.s32 @!p1 $0xC00;
	s0 =	sshrl.u32 @!p1 s0, $0x3  }
0x32: {  	s11 =	simm.s32 @!p1 $0x4000;
	s0 =	sadd.s32 @!p1 s6, s0;
	s8 =	sshrl.u32 @!p1 s8, $0x2  }
0x33: {  	[tilespmem:s8], [sflag:$0x1] =	stream.strided.gather @!p1 [hbm4b:s0+s10], $0x6000, s11, s10, $0x38;
	[tilespmem:$0x1D000] =	vst v63  }
0x34: {  	s0 =	sadd.s32 @!p0 $0xFFFFFFFE, s2  }
0x35: {  	p1 =	sgt.u32 @!p0 s0, $0xC  }
0x36: {  	p1 =	por p1, p0  }
0x37: {  	s0 =	simm.s32 @!p1 $0x1  }
0x38: {  	_ =	swait.ge @!p1 [sflag:s0], $0x6000  }
0x39: {  	p0 =	seq.s32 s30, $0x3F;
	[sflag:s0] =	ssyncset.done @!p1 $0x0  }
0x3a: {  	s2 =	sadd.s32 @!p0 $0x1, s30;
	s10 =	simm.s32 @!p0 $0x400;
	[sflag:s0] =	ssyncadd.s32 @!p1 $0xFFFFA000  }
0x3b: {  	s0 =	sand.u32 @!p0 $0x1, s2;
	s2 =	sshll.u32 @!p0 s2, $0xF;
	_ =	swait.ge [sflag:s26], $0x1800  }
0x3c: {  	p1 =	seq.s32 @!p0 s0, $0x1;
	s0 =	simm.s32 @!p0 $0x1800;
	[sflag:s26] =	ssyncset.done $0x0  }
0x3d: {  	s2 =	sadd.s32 @!p0 s9, s2;
	p1 =	por !p1, p0;
	[sflag:s26] =	ssyncadd.s32 $0xFFFFE800  }
0x3e: {  	s2 =	sshrl.u32 @!p0 s2, $0x3;
	s0 =	simm.s32 @p1 $0x0;
	s1 =	rddreg [dreg:$0x1]  }
0x3f: {  	s11 =	simm.s32 @!p0 $0x4000;
	s8 =	sor.u32 @!p0 $0x18000, s0;
	s2 =	sadd.s32 @!p0 s1, s2  }
0x40: {  	[tilespmem:s8], [sflag:$0x2] =	stream.strided.gather @!p0 [hbm4b:s2+s10], $0x800, s11, s10, $0x38;
	[tilespmem:$0x1D000] =	vst v63  }
0x41: {  	s14 =	sadd.s32 @!p0 $0x18800, s0;
	s8 =	sadd.s32 @!p0 $0x40000, s2  }
0x42: {  	[tilespmem:s14], [sflag:$0x2] =	stream.strided.gather @!p0 [hbm4b:s8+s10], $0x800, s11, s10, $0x38;
	[tilespmem:$0x1D000] =	vst v63  }
0x43: {  	p1 =	slt.u32 @!p0 s30, $0x2;
	s0 =	sadd.s32 @!p0 $0x19000, s0;
	s2 =	sadd.s32 @!p0 $0x80000, s2  }
0x44: {  	[tilespmem:s0], [sflag:$0x2] =	stream.strided.gather @!p0 [hbm4b:s2+s10], $0x800, s11, s10, $0x38;
	[tilespmem:$0x1D000] =	vst v63  }
0x45: {  	p0 =	por p0, !p1  }
0x46: {  	s0 =	simm.s32 @p0 $0x3  }
0x47: {  	_ =	swait.ge @p0 [sflag:s0], $0x1000  }
0x48: {  	[sflag:s0] =	ssyncset.done @p0 $0x0  }
0x49: {  	[sflag:s0] =	ssyncadd.s32 @p0 $0xFFFFF000;
	s0 =	sand.u32 $0x1, s30  }
0x4a: {  	s19 =	smul.u32 $0x6000, s0;
	_ =	sdelay $0x1  }
0x4b: {  	s2 =	sshrl.u32 s19, $0x2  }
0x4c: {  	s23 =	simm.s32 $0x0;
	s25 =	simm.s32 $0x0;
	s20 =	sor.u32 $0x18000, s2  }
0x4d: {  	s8 =	sand.u32 $0x7, s23;
	s22 =	sadd.s32 $0x18800, s2;
	[dreg:$0x4] =	wrdreg s20  }
0x4e: {  	s11 =	sshll.u32 s8, $0x7;
	s31 =	sadd.s32 $0x19000, s2;
	[dreg:$0x5] =	wrdreg s22  }
0x4f: {  	s10 =	sand.u32 $0x70, s25;
	s16 =	sadd.s32 $0x0, s31;
	s24 =	rddreg [dreg:$0x5]  }
0x50: {  	s15 =	rddreg [dreg:$0x4];
	s28 =	sadd.s32 s11, s16;
	s14 =	sadd.s32 $0x0, s24  }
0x51: {  	s2 =	sadd.s32 s10, s28;
	s15 =	sadd.s32 $0x0, s15;
	s14 =	sadd.s32 s11, s14  }
0x52: {  	v2 =	vld [tilespmem:s2+$0x0];
	s15 =	sadd.s32 s11, s15;
	s14 =	sadd.s32 s10, s14  }
0x53: {  	s2 =	sshll.u32 s30, $0x1;
	s15 =	sadd.s32 s10, s15;
	v3 =	vld [tilespmem:s14+$0x0]  }
0x54: {  	s29 =	sadd.s32 $0x0, s2;
	v4 =	vld [tilespmem:s15+$0x0]  }
0x55: {  	s8 =	sor.u32 s4, s8;
	s1 =	scvt.s32.f32 s10;
	s14 =	scvt.s32.f32 s29  }
0x56: {  	s8 =	scvt.s32.f32 s8  }
0x57: {  	v5 =	vadd.f32 s1, v1;
	v2 =	vadd.f32 s14, v2  }
0x58: {  	v3 =	vadd.f32 s8, v3  }
0x59: {  	s16 =	simm.s32 $0x10;
	v2 =	vmax.f32 v2, $0.0e+00;
	v4 =	vadd.f32 v4, v5  }
0x5a: {  	s24 =	sand.u32 $0x70, s16;
	v2 =	vmin.f32 v2, $1.270000000e+02;
	v3 =	vmax.f32 v3, $0.0e+00  }
0x5b: {  	s28 =	scvt.s32.f32 s24;
	v5 =	vtrunc.f32 v2;
	v4 =	vmax.f32 v4, $0.0e+00;
	v3 =	vmin.f32 v3, $1.270000000e+02  }
0x5c: {  	v5 =	vcvt.f32.s32 v5;
	v4 =	vmin.f32 v4, $1.270000000e+02;
	v6 =	vtrunc.f32 v3  }
0x5d: {  	v19 =	vadd.f32 s28, v1;
	v9 =	vtrunc.f32 v4;
	v6 =	vcvt.f32.s32 v6  }
0x5e: {  	v7 =	vand.u32 $0x1F, v5;
	v8 =	vadd.s32 $0x1, v5;
	v9 =	vcvt.f32.s32 v9  }
0x5f: {  	s3 =	simm.s32 $0x0;
	v5 =	vcvt.s32.f32 v5;
	v8 =	vmin.u32 v8, $0x7F;
	v7 =	vmul.u32 $0xC00, v7  }
0x60: {  	s8 =	sand.u32 $0x7, s3;
	v10 =	vadd.s32 $0x1, v6;
	v8 =	vand.u32 $0x1F, v8;
	v11 =	vsub.s32 v6, v0  }
0x61: {  	s19 =	sadd.s32 $0x0, s31;
	s12 =	rddreg [dreg:$0x5];
	s20 =	sshll.u32 s8, $0x7;
	v12 =	vadd.s32 $0x1, v9;
	v13 =	vand.u32 $0xFFFFFF80, v9;
	v14 =	vcvt.s32.f32 v9  }
0x62: {  	s17 =	rddreg [dreg:$0x4];
	s14 =	sadd.s32 $0x0, s12;
	s22 =	sadd.s32 s20, s19;
	v6 =	vcvt.s32.f32 v6;
	v9 =	vand.u32 $0x7F, v9;
	v10 =	vmin.u32 v10, $0x7F  }
0x63: {  	s23 =	sadd.s32 $0x0, s17;
	s14 =	sadd.s32 s20, s14;
	s15 =	sadd.s32 s24, s22;
	v2 =	vsub.f32 v2, v5;
	v8 =	vmul.u32 $0xC00, v8;
	v10 =	vsub.s32 v10, v0  }
0x64: {  	s14 =	sadd.s32 s24, s14;
	v16 =	vld [tilespmem:s15+$0x0];
	s15 =	sadd.s32 s20, s23;
	v11 =	vshll.u32 v11, $0x7;
	v12 =	vmin.u32 v12, $0x7F;
	v10 =	vshll.u32 v10, $0x7  }
0x65: {  	s15 =	sadd.s32 s24, s15;
	v4 =	vsub.f32 v4, v14;
	v14 =	vld [tilespmem:s14+$0x0];
	v6 =	vsub.f32 v3, v6;
	v15 =	vadd.s32 v10, v8  }
0x66: {  	s25 =	sadd.s32 $0x0, s2;
	v3 =	vld [tilespmem:s15+$0x0];
	v8 =	vadd.s32 v11, v8;
	v10 =	vadd.s32 v7, v10;
	v7 =	vadd.s32 v11, v7  }
0x67: {  	s8 =	sor.u32 s4, s8;
	s14 =	scvt.s32.f32 s25;
	v17 =	vadd.s32 v13, v15;
	v18 =	vor.u32 v12, v10;
	v10 =	vadd.s32 v13, v10  }
0x68: {  	s8 =	scvt.s32.f32 s8;
	v15 =	vor.u32 v12, v15;
	v5 =	vor.u32 v9, v10;
	v10 =	vpack.i.f32.bf16 v4, v4  }
0x69: {  	v4 =	vadd.f32 s14, v16;
	v16 =	vor.u32 v9, v17;
	v17 =	vadd.s32 v13, v8  }
0x6a: {  	v8 =	vor.u32 v12, v8;
	v13 =	vadd.s32 v13, v7;
	v14 =	vadd.f32 s8, v14  }
0x6b: {  	v7 =	vor.u32 v12, v7;
	v3 =	vadd.f32 v3, v19;
	v4 =	vmax.f32 v4, $0.0e+00  }
0x6c: {  	v17 =	vor.u32 v9, v17;
	v11 =	vmin.f32 v4, $1.270000000e+02;
	v4 =	vmax.f32 v14, $0.0e+00;
	v14 =	vld.idx.msk [tilespmem:v18+s5+$0x0], $0xffff  }
0x6d: {  	v3 =	vmax.f32 v3, $0.0e+00;
	v18 =	vtrunc.f32 v11;
	v4 =	vmin.f32 v4, $1.270000000e+02;
	v15 =	vld.idx.msk [tilespmem:v15+s5+$0x0], $0xffff  }
0x6e: {  	v3 =	vmin.f32 v3, $1.270000000e+02;
	v5 =	vld.idx.msk [tilespmem:v5+s5+$0x0], $0xffff;
	v18 =	vcvt.f32.s32 v18;
	v19 =	vtrunc.f32 v4  }
0x6f: {  	v9 =	vor.u32 v9, v13;
	v16 =	vld.idx.msk [tilespmem:v16+s5+$0x0], $0xffff;
	v20 =	vtrunc.f32 v3;
	v13 =	vcvt.f32.s32 v19  }
0x70: {  	v8 =	vld.idx.msk [tilespmem:v8+s5+$0x0], $0xffff;
	v20 =	vcvt.f32.s32 v20;
	v12 =	vand.u32 $0x1F, v18;
	v19 =	vadd.s32 $0x1, v18  }
0x71: {  	v17 =	vld.idx.msk [tilespmem:v17+s5+$0x0], $0xffff;
	v21 =	vadd.s32 $0x1, v13;
	v19 =	vmin.u32 v19, $0x7F;
	v12 =	vmul.u32 $0xC00, v12  }
0x72: {  	v22 =	vsub.s32 v13, v0;
	v23 =	vadd.s32 $0x1, v20;
	v24 =	vand.u32 $0xFFFFFF80, v20  }
0x73: {  	v27 =	vcvt.s32.f32 v20;
	v13 =	vcvt.s32.f32 v13;
	v21 =	vmin.u32 v21, $0x7F  }
0x74: {  	v19 =	vand.u32 $0x1F, v19;
	v22 =	vshll.u32 v22, $0x7;
	v23 =	vmin.u32 v23, $0x7F  }
0x75: {  	v21 =	vsub.s32 v21, v0;
	v14 =	vsub.bf16 v14, v5;
	v19 =	vmul.u32 $0xC00, v19  }
0x76: {  	s29 =	simm.s32 $0x0;
	v15 =	vsub.bf16 v15, v16;
	v21 =	vshll.u32 v21, $0x7;
	v8 =	vsub.bf16 v8, v17  }
0x77: {  	s1 =	rddreg [dreg:$0x4];
	s12 =	simm.s32 $0x20;
	s8 =	sand.u32 $0x7, s29;
	v4 =	vsub.f32 v4, v13;
	v25 =	vadd.s32 v21, v19;
	v14 =	vmul.bf16 v10, v14  }
0x78: {  	s3 =	rddreg [dreg:$0x5];
	s22 =	sadd.s32 $0x0, s31;
	s16 =	sshll.u32 s8, $0x7;
	v19 =	vadd.s32 v22, v19;
	v15 =	vmul.bf16 v15, v10;
	v8 =	vmul.bf16 v10, v8  }
0x79: {  	s15 =	sadd.s32 $0x0, s1;
	s14 =	sand.u32 $0x70, s12;
	s22 =	sadd.s32 s16, s22;
	v7 =	vld.idx.msk [tilespmem:v7+s5+$0x0], $0xffff;
	v26 =	vadd.s32 v24, v25;
	v28 =	vor.u32 v23, v25;
	v25 =	vadd.bf16 v5, v14  }
0x7a: {  	s19 =	sadd.s32 $0x0, s3;
	s15 =	sadd.s32 s16, s15;
	s22 =	sadd.s32 s14, s22;
	v14 =	vcvt.s32.f32 v18;
	v17 =	vadd.bf16 v17, v8;
	v8 =	vadd.bf16 v16, v15;
	v16 =	vld.idx.msk [tilespmem:v9+s5+$0x0], $0xffff  }
0x7b: {  	s19 =	sadd.s32 s16, s19;
	s15 =	sadd.s32 s14, s15;
	v5 =	vsub.f32 v3, v27;
	v3 =	vpack.i.f32.bf16 v2, v2;
	v9 =	vld [tilespmem:s22+$0x0];
	v15 =	vand.u32 $0x7F, v20  }
0x7c: {  	s19 =	sadd.s32 s14, s19;
	v13 =	vld [tilespmem:s15+$0x0];
	v2 =	vsub.f32 v11, v14;
	v11 =	vadd.s32 v12, v21;
	v21 =	vpack.i.f32.bf16 v6, v6  }
0x7d: {  	s23 =	sadd.s32 $0x0, s2;
	v6 =	vld [tilespmem:s19+$0x0];
	v5 =	vpack.i.f32.bf16 v5, v5;
	v12 =	vadd.s32 v22, v12;
	v8 =	vsub.bf16 v8, v17  }
0x7e: {  	s25 =	scvt.s32.f32 s23;
	s17 =	scvt.s32.f32 s14;
	v22 =	vadd.s32 v24, v19;
	v19 =	vor.u32 v23, v19;
	v14 =	vor.u32 v23, v11  }
0x7f: {  	s8 =	sor.u32 s4, s8;
	v11 =	vadd.s32 v24, v11;
	v20 =	vadd.s32 v24, v12;
	v18 =	vmul.bf16 v8, v21  }
0x80: {  	s8 =	scvt.s32.f32 s8;
	v8 =	vadd.f32 s17, v1;
	v24 =	vadd.f32 s25, v9;
	v9 =	vor.u32 v15, v20  }
0x81: {  	v20 =	vor.u32 v15, v11;
	v11 =	vor.u32 v23, v12;
	v12 =	vsub.bf16 v7, v16  }
0x82: {  	v8 =	vadd.f32 v13, v8;
	v13 =	vadd.f32 s8, v6;
	v6 =	vmax.f32 v24, $0.0e+00  }
0x83: {  	v27 =	vor.u32 v15, v26;
	v22 =	vor.u32 v15, v22;
	v6 =	vmin.f32 v6, $1.270000000e+02  }
0x84: {  	v10 =	vmul.bf16 v10, v12;
	v7 =	vmax.f32 v13, $0.0e+00;
	v13 =	vtrunc.f32 v6  }
0x85: {  	v24 =	vld.idx.msk [tilespmem:v14+s5+$0x0], $0xffff;
	v23 =	vmax.f32 v8, $0.0e+00;
	v8 =	vmin.f32 v7, $1.270000000e+02;
	v7 =	vcvt.f32.s32 v13  }
0x86: {  	s28 =	sshll.u32 s0, $0xC;
	v14 =	vmin.f32 v23, $1.270000000e+02;
	v15 =	vld.idx.msk [tilespmem:v20+s5+$0x0], $0xffff;
	v12 =	vtrunc.f32 v8;
	v13 =	vadd.bf16 v18, v17  }
0x87: {  	s0 =	sadd.s32 $0x1B000, s28;
	v20 =	vtrunc.f32 v14;
	v12 =	vcvt.f32.s32 v12;
	v18 =	vadd.s32 $0x1, v7  }
0x88: {  	s29 =	sadd.s32 $0x0, s0;
	v30 =	vadd.bf16 v16, v10;
	v10 =	vcvt.f32.s32 v20;
	v18 =	vmin.u32 v18, $0x7F  }
0x89: {  	s12 =	sadd.s32 $0x0, s0;
	s1 =	sadd.s32 s11, s29;
	v31 =	vld.idx.msk [tilespmem:v19+s5+$0x0], $0xffff;
	v17 =	vand.u32 $0x1F, v7;
	v16 =	vadd.s32 $0x1, v12;
	v19 =	vand.u32 $0x1F, v18  }
0x8a: {  	s23 =	sadd.s32 s10, s1;
	s15 =	simm.s32 $0x3;
	s19 =	sadd.s32 $0x1B800, s28;
	v18 =	vld.idx.msk [tilespmem:v22+s5+$0x0], $0xffff;
	v20 =	vmin.u32 v16, $0x7F;
	v16 =	vmul.u32 $0xC00, v17;
	v17 =	vsub.bf16 v25, v30  }
0x8b: {  	s28 =	sadd.s32 $0x0, s0;
	s3 =	sadd.s32 $0x0, s19;
	s17 =	sadd.s32 $0x0, s19;
	v22 =	vsub.s32 v12, v0;
	v20 =	vsub.s32 v20, v0;
	v26 =	vsub.bf16 v24, v15  }
0x8c: {  	s29 =	sadd.s32 $0x0, s19;
	s11 =	sadd.s32 s11, s3;
	s25 =	sadd.s32 s20, s17;
	v24 =	vmul.u32 $0xC00, v19;
	v19 =	vand.u32 $0xFFFFFF80, v10;
	v23 =	vshll.u32 v22, $0x7  }
0x8d: {  	s11 =	sadd.s32 s10, s11;
	s8 =	sadd.s32 s20, s12;
	s20 =	sadd.s32 s24, s25;
	v25 =	vshll.u32 v20, $0x7;
	v20 =	vmul.bf16 v17, v21;
	v17 =	vadd.s32 $0x1, v10;
	v21 =	vld.idx.msk [tilespmem:v27+s5+$0x0], $0xffff  }
0x8e: {  	s22 =	sadd.s32 s24, s8;
	s8 =	sadd.s32 s16, s28;
	s16 =	sadd.s32 s16, s29;
	v27 =	vld.idx.msk [tilespmem:v28+s5+$0x0], $0xffff;
	v17 =	vmin.u32 v17, $0x7F;
	v29 =	vadd.s32 v25, v24;
	v22 =	vadd.s32 v23, v24  }
0x8f: {  	s10 =	sadd.s32 s14, s8;
	s24 =	sadd.s32 s14, s16;
	s14 =	simm.s32 $0x30;
	v20 =	vadd.bf16 v20, v30;
	v24 =	vadd.s32 v19, v29;
	v28 =	vsub.bf16 v31, v18  }
.LBB2_3:
0x90: {  	_ = 	snop  }
0x91: {  	v26 =	vmul.bf16 v5, v26;
	v13 =	vsub.bf16 v13, v20  }
0x92: {  	s16 =	sshrl.u32 s15, $0x6;
	s8 =	sshrl.u32 s15, $0x3;
	s17 =	smov.u32 s15;
	v30 =	vcvt.s32.f32 v10;
	v29 =	vor.u32 v17, v29;
	v12 =	vcvt.s32.f32 v12  }
0x93: {  	s12 =	rddreg [dreg:$0x4];
	v7 =	vcvt.s32.f32 v7;
	s8 =	sand.u32 $0x7, s8;
	s17 =	sshll.u32 s16, $0xA;
	v27 =	vsub.bf16 v27, v21;
	v3 =	vmul.bf16 v13, v3  }
0x94: {  	s25 =	rddreg [dreg:$0x5];
	v28 =	vmul.bf16 v5, v28;
	s29 =	sshll.u32 s8, $0x7;
	s1 =	sadd.s32 s17, s31;
	v26 =	vadd.bf16 v15, v26;
	v8 =	vsub.f32 v8, v12  }
0x95: {  	s28 =	sand.u32 $0x70, s14;
	s12 =	sadd.s32 s17, s12;
	v12 =	vld.idx.msk [tilespmem:v11+s5+$0x0], $0xffff;
	s1 =	sadd.s32 s29, s1;
	v13 =	vsub.f32 v14, v30;
	v15 =	vmul.bf16 v27, v5;
	v14 =	vadd.bf16 v3, v20  }
0x96: {  	s25 =	sadd.s32 s17, s25;
	v18 =	vadd.bf16 v18, v28;
	s12 =	sadd.s32 s29, s12;
	v28 =	vpack.i.f32.bf16 v4, v4;
	s1 =	sadd.s32 s28, s1;
	v4 =	vmovc v8;
	v8 =	vand.u32 $0x7F, v10;
	v27 =	vld.idx.msk [tilespmem:v9+s5+$0x0], $0xffff  }
0x97: {  	s25 =	sadd.s32 s29, s25;
	s12 =	sadd.s32 s28, s12;
	v11 =	vld [tilespmem:s1+$0x0];
	v9 =	vadd.bf16 v21, v15;
	v15 =	vunpack.i.u.bf16.f32 v14;
	v14 =	vunpack.i.l.bf16.f32 v14  }
0x98: {  	s25 =	sadd.s32 s28, s25;
	v10 =	vadd.s32 v19, v22;
	v3 =	vpack.i.f32.bf16 v2, v2;
	v20 =	vld [tilespmem:s12+$0x0];
	v2 =	vsub.f32 v6, v7;
	[tilespmem:s23+$0x0] =	vst v14  }
0x99: {  	s3 =	sadd.s32 s2, s16;
	s12 =	scvt.s32.f32 s28;
	v6 =	vadd.s32 v16, v25;
	v16 =	vadd.s32 v23, v16;
	v23 =	vor.u32 v8, v10;
	v7 =	vld [tilespmem:s25+$0x0]  }
0x9a: {  	s3 =	scvt.s32.f32 s3;
	v10 =	vor.u32 v17, v22;
	v22 =	vor.u32 v8, v24;
	v9 =	vsub.bf16 v9, v18  }
0x9b: {  	s8 =	sor.u32 s4, s8;
	v14 =	vor.u32 v17, v6;
	v6 =	vadd.s32 v19, v6;
	[tilespmem:s11+$0x0] =	vst v15;
	v15 =	vadd.f32 s12, v1  }
0x9c: {  	s8 =	scvt.s32.f32 s8;
	v11 =	vadd.f32 s3, v11;
	v21 =	vmul.bf16 v9, v28;
	v9 =	vadd.s32 v19, v16  }
0x9d: {  	v19 =	vor.u32 v8, v6;
	v9 =	vor.u32 v8, v9;
	v8 =	vadd.f32 v20, v15  }
0x9e: {  	v12 =	vsub.bf16 v12, v27;
	v6 =	vmax.f32 v11, $0.0e+00;
	v7 =	vadd.f32 s8, v7  }
0x9f: {  	v11 =	vor.u32 v17, v16;
	v6 =	vmin.f32 v6, $1.270000000e+02;
	v16 =	vmax.f32 v8, $0.0e+00  }
0xa0: {  	v17 =	vld.idx.msk [tilespmem:v14+s5+$0x0], $0xffff;
	v15 =	vtrunc.f32 v6;
	v14 =	vmin.f32 v16, $1.270000000e+02;
	v7 =	vmax.f32 v7, $0.0e+00  }
0xa1: {  	v20 =	vtrunc.f32 v14;
	v8 =	vmin.f32 v7, $1.270000000e+02;
	v7 =	vcvt.f32.s32 v15  }
0xa2: {  	v13 =	vpack.i.f32.bf16 v13, v13;
	v15 =	vld.idx.msk [tilespmem:v19+s5+$0x0], $0xffff;
	v19 =	vmul.bf16 v5, v12;
	v12 =	vtrunc.f32 v8  }
0xa3: {  	v30 =	vld.idx.msk [tilespmem:v10+s5+$0x0], $0xffff;
	v5 =	vmovc v13;
	v13 =	vadd.bf16 v21, v18;
	v10 =	vcvt.f32.s32 v20;
	v12 =	vcvt.f32.s32 v12  }
0xa4: {  	v21 =	vld.idx.msk [tilespmem:v22+s5+$0x0], $0xffff;
	v16 =	vand.u32 $0x1F, v7;
	v18 =	vadd.s32 $0x1, v7;
	v22 =	vadd.bf16 v27, v19  }
0xa5: {  	v18 =	vmin.u32 v18, $0x7F;
	v16 =	vmul.u32 $0xC00, v16;
	v19 =	vadd.s32 $0x1, v12  }
0xa6: {  	p0 =	sne.s32 s15, $0x7F;
	s14 =	sadd.s32 $0x10, s14;
	v20 =	vand.u32 $0x1F, v18;
	v18 =	vld.idx.msk [tilespmem:v23+s5+$0x0], $0xffff;
	v23 =	vsub.bf16 v26, v22;
	v24 =	vsub.s32 v12, v0  }
.Ltmp0:
0xa7: {  	s1 =	sadd.s32 s17, s0;
	s17 =	sadd.s32 s17, s19;
	v19 =	vmin.u32 v19, $0x7F;
	v26 =	vsub.bf16 v17, v15;
	v31 =	vmul.u32 $0xC00, v20;
	(pc) =	sbr.rel @p0 .LBB2_3-.Ltmp0, $4  }
0xa8: {  	s16 =	sadd.s32 $0x1, s15;
	s1 =	sadd.s32 s29, s1;
	s15 =	sadd.s32 s29, s17;
	v17 =	vadd.s32 $0x1, v10;
	v19 =	vsub.s32 v19, v0;
	v20 =	vmul.bf16 v23, v28  }
0xa9: {  	s1 =	sadd.s32 s28, s1;
	s29 =	sadd.s32 s28, s15;
	s15 =	smov.u32 s16;
	v23 =	vshll.u32 v24, $0x7;
	v17 =	vmin.u32 v17, $0x7F;
	v25 =	vshll.u32 v19, $0x7  }
0xaa: {  	s23 =	smov.u32 s22;
	s22 =	smov.u32 s10;
	s10 =	smov.u32 s1;
	v27 =	vld.idx.msk [tilespmem:v29+s5+$0x0], $0xffff;
	v19 =	vand.u32 $0xFFFFFF80, v10;
	v29 =	vadd.s32 v25, v31;
	v20 =	vadd.bf16 v20, v22  }
0xab: {  	s11 =	smov.u32 s20;
	s20 =	smov.u32 s24;
	s24 =	smov.u32 s29;
	v22 =	vadd.s32 v23, v31;
	v24 =	vadd.s32 v19, v29;
	v28 =	vsub.bf16 v30, v18  }
0xac: {  	_ = 	snop  }
0xad: {  	v39 =	vor.u32 v17, v22  }
0xae: {  	v25 =	vadd.s32 v16, v25;
	v29 =	vor.u32 v17, v29  }
0xaf: {  	v31 =	vand.u32 $0x7F, v10;
	v30 =	vor.u32 v17, v25  }
0xb0: {  	v9 =	vld.idx.msk [tilespmem:v9+s5+$0x0], $0xffff;
	v32 =	vadd.s32 v19, v22;
	v24 =	vor.u32 v31, v24  }
0xb1: {  	v40 =	vadd.s32 v23, v16;
	v11 =	vld.idx.msk [tilespmem:v11+s5+$0x0], $0xffff;
	v41 =	vor.u32 v31, v32  }
0xb2: {  	v25 =	vadd.s32 v19, v25;
	v16 =	vor.u32 v17, v40;
	v22 =	vld.idx.msk [tilespmem:v39+s5+$0x0], $0xffff  }
0xb3: {  	v42 =	vadd.s32 v19, v40;
	v25 =	vor.u32 v31, v25;
	v44 =	vld.idx.msk [tilespmem:v29+s5+$0x0], $0xffff  }
0xb4: {  	v19 =	vor.u32 v31, v42;
	v30 =	vld.idx.msk [tilespmem:v30+s5+$0x0], $0xffff  }
0xb5: {  	v43 =	vld.idx.msk [tilespmem:v24+s5+$0x0], $0xffff  }
0xb6: {  	v23 =	vld.idx.msk [tilespmem:v41+s5+$0x0], $0xffff  }
0xb7: {  	v16 =	vld.idx.msk [tilespmem:v16+s5+$0x0], $0xffff  }
0xb8: {  	v26 =	vmul.bf16 v5, v26;
	v27 =	vsub.bf16 v27, v21;
	v11 =	vsub.bf16 v11, v9;
	v25 =	vld.idx.msk [tilespmem:v25+s5+$0x0], $0xffff  }
0xb9: {  	v45 =	vcvt.s32.f32 v10;
	v28 =	vmul.bf16 v5, v28;
	v19 =	vld.idx.msk [tilespmem:v19+s5+$0x0], $0xffff  }
0xba: {  	v15 =	vadd.bf16 v15, v26;
	v46 =	vmul.bf16 v27, v5;
	v47 =	vmul.bf16 v5, v11  }
0xbb: {  	v10 =	vsub.f32 v14, v45;
	v48 =	vadd.bf16 v18, v28  }
0xbc: {  	v49 =	vadd.bf16 v21, v46;
	v5 =	vadd.bf16 v9, v47  }
0xbd: {  	v51 =	vsub.bf16 v22, v23;
	v52 =	vsub.bf16 v44, v43  }
0xbe: {  	v10 =	vpack.i.f32.bf16 v10, v10;
	v50 =	vsub.bf16 v30, v25;
	v16 =	vsub.bf16 v16, v19  }
0xbf: {  	v14 =	vsub.bf16 v49, v48;
	v18 =	vmul.bf16 v10, v51;
	v21 =	vmul.bf16 v52, v10  }
0xc0: {  	v15 =	vsub.bf16 v15, v5;
	v9 =	vmul.bf16 v10, v50;
	v10 =	vmul.bf16 v10, v16  }
0xc1: {  	v12 =	vcvt.s32.f32 v12;
	v53 =	vadd.bf16 v23, v18;
	v17 =	vadd.bf16 v43, v21  }
0xc2: {  	v4 =	vpack.i.f32.bf16 v4, v4;
	v9 =	vadd.bf16 v25, v9;
	v10 =	vadd.bf16 v19, v10  }
0xc3: {  	v8 =	vsub.f32 v8, v12;
	v54 =	vmul.bf16 v14, v4;
	v4 =	vmul.bf16 v15, v4  }
0xc4: {  	v55 =	vsub.bf16 v17, v53;
	v9 =	vsub.bf16 v9, v10  }
0xc5: {  	v56 =	vpack.i.f32.bf16 v8, v8;
	v11 =	vadd.bf16 v54, v48;
	v4 =	vadd.bf16 v4, v5  }
0xc6: {  	v57 =	vsub.bf16 v13, v20;
	v58 =	vmul.bf16 v55, v56;
	v5 =	vmul.bf16 v9, v56  }
0xc7: {  	v7 =	vcvt.s32.f32 v7;
	v59 =	vsub.bf16 v11, v4  }
0xc8: {  	v3 =	vmul.bf16 v57, v3;
	v60 =	vadd.bf16 v58, v53;
	v5 =	vadd.bf16 v5, v10  }
0xc9: {  	v2 =	vpack.i.f32.bf16 v2, v2;
	v6 =	vsub.f32 v6, v7  }
0xca: {  	v3 =	vadd.bf16 v3, v20;
	v2 =	vmul.bf16 v59, v2;
	v61 =	vsub.bf16 v60, v5  }
0xcb: {  	v6 =	vpack.i.f32.bf16 v6, v6  }
0xcc: {  	v62 =	vunpack.i.l.bf16.f32 v3;
	v2 =	vadd.bf16 v2, v4;
	v63 =	vmul.bf16 v61, v6  }
0xcd: {  	v3 =	vunpack.i.u.bf16.f32 v3;
	[tilespmem:s23+$0x0] =	vst v62  }
0xce: {  	[tilespmem:s11+$0x0] =	vst v3;
	v3 =	vunpack.i.l.bf16.f32 v2;
	v4 =	vadd.bf16 v63, v5  }
0xcf: {  	s1 =	sshll.u32 s30, $0xF;
	s30 =	sadd.s32 $0x1, s30;
	v2 =	vunpack.i.u.bf16.f32 v2;
	[tilespmem:s22+$0x0] =	vst v3  }
0xd0: {  	s1 =	sadd.s32 s13, s1;
	p0 =	sne.s32 s30, $0x40;
	[tilespmem:s20+$0x0] =	vst v2;
	v2 =	vunpack.i.l.bf16.f32 v4  }
.Ltmp1:
0xd1: {  	s2 =	rddreg [dreg:$0x2];
	s1 =	sshrl.u32 s1, $0x3;
	v3 =	vunpack.i.u.bf16.f32 v4;
	[tilespmem:s10+$0x0] =	vst v2;
	(pc) =	sbr.rel @p0 .LBB2_2-.Ltmp1, $4  }
0xd2: {  	s1 =	sadd.s32 s2, s1;
	[tilespmem:s24+$0x0] =	vst v3  }
0xd3: {  	[hbm4b:s1+s21] =	stream.strided.scatter [tilespmem:s0], [sflag:$0x3], $0x800, s18, s21, $0x38;
	[tilespmem:$0x1D000] =	vst v63  }
0xd4: {  	s31 =	sadd.s32 $0x40000, s1  }
0xd5: {  	[hbm4b:s31+s21] =	stream.strided.scatter [tilespmem:s19], [sflag:$0x3], $0x800, s18, s21, $0x38;
	[tilespmem:$0x1D000] =	vst v63  }
0xd6: {  	s1 =	simm.s32 $0x3  }
0xd7: {  	_ =	swait.ge [sflag:s1], $0x1000  }
0xd8: {  	[sflag:s1] =	ssyncset.done $0x0  }
0xd9: {  	[sflag:s1] =	ssyncadd.s32 $0xFFFFF000  }
0xda: {  	_ =	swait.ge [sflag:s1], $0x1000  }
0xdb: {  	s2 =	rddreg [dreg:$0xd]  }
0xdc: {  	s0 =	rddreg [dreg:$0xa];
	s2 =	sadd.s32 $0x1, s2  }
0xdd: {  	p0 =	sne.s32 s2, s0  }
.Ltmp2:
0xde: {  	_ = 	snop;
	(pc) =	sbr.rel @p0 .LBB2_1-.Ltmp2, $3  }
0xdf: {  	_ =	sdelay $0x1  }
0xe0: {  	[sflag:s1] =	ssyncset.done $0x0  }
0xe1: {  	[sflag:s1] =	ssyncadd.s32 $0xFFFFF000  }
0xe2: {  	_ =	sfence.sel $0x180000  }
0xe3: {  	[bflag:$0x0] =	sbarrier.arrive $0xFFFF  }
0xe4: {  	_ =	strace $0x90000047  }
0xe5: {  	s0 =	stileid.u32;
	[bflag:$0x2] =	sbarrier.arrive $0xFFFF  }
0xe6: {  	p0 =	sne.s32 s0, $0x0;
	s0 =	rddreg [dreg:$0x3]  }
0xe7: {  	s0 =	sadd.s32 @!p0 $0x100000, s0  }
0xe8: {  	[sflag:s0] =	ssyncadd.tile.s32 @!p0 $0x1;
	_ =	shalt  }
.Lfunc_end2:
_tile_overlayer_lowered:
.L_overlay_start_2:
0xe9: {  	(tag) =	ssettag $0x2  }
0xea: {  	s0 =	rddreg [dreg:$0x0];
	s2 =	stileid.u32  }
0xeb: {  	s1 =	rddreg [dreg:$0x1];
	p0 =	sne.s32 s2, $0x0  }
0xec: {  	s3 =	rddreg [dreg:$0x2];
	[bflag:$0x3] =	sbarrier.arrive $0xFFFF;
	s2 =	simm.s32 @!p0 $0x1C04  }
0xed: {  	[timem:s3], [sflag:s2] =	dma.local @!p0 [hbm:s0], s1  }
0xee: {  	s0 =	simm.s32 @!p0 $0x4  }
0xef: {  	_ =	swait.ge @!p0 [sflag:s0], s1  }
0xf0: {  	s1 =	ssub.s32 @!p0 $0x0, s1;
	[sflag:s0] =	ssyncset.done @!p0 $0x0  }
0xf1: {  	[sflag:s0] =	ssyncadd.s32 @!p0 s1  }
0xf2: {  	[bflag:$0x3] =	sbarrier.arrive $0xFFFF  }
0xf3: {  	_ =	shalt  }

</sc_bundles>
